<compile_context>
chip_gen: v7x
topology: tpu7x:2x2x1
jax: 0.10.2.dev20260603
libtpu: 0.0.44.dev20260713+nightly
codegen_flags: <defaults>
</compile_context>

<pallas_src>
import functools

import jax
import jax.numpy as jnp
from jax import lax
from jax.experimental import pallas as pl
from jax.experimental.pallas import tpu as pltpu
from jax.experimental.pallas import tpu_sc as plsc

N_NODES = 10000
NP = 10240
PAD_NODE = NP - 1
D = 128
CHUNK = 128
NROWS = 2560
EP = NROWS * CHUNK
HALF = NP // 2
JUNK = HALF
ACC_R = HALF + 8
CPT_H = NROWS // 32
NCH = NROWS // 16
HIST_RPT = NP // 16
AGG_RPT = HALF // 16

_mesh = plsc.VectorSubcoreMesh(core_axis_name="c", subcore_axis_name="s")


@functools.partial(
    pl.kernel,
    out_type=jax.ShapeDtypeStruct((2 * NP,), jnp.float32),
    mesh=_mesh,
    scratch_types=[
        pltpu.VMEM((CPT_H, CHUNK), jnp.int32),
        pltpu.VMEM((CPT_H, CHUNK), jnp.int32),
        pltpu.VMEM((CHUNK,), jnp.float32),
        pltpu.VMEM((HIST_RPT,), jnp.float32),
        pltpu.VMEM_SHARED((NP,), jnp.float32),
    ],
)
def _deg_hist(edges_hbm, out_hbm, pk_v, dst_v, ones_v, stage_v, hist):
    cid = lax.axis_index("c")
    sid = lax.axis_index("s")
    wid = sid * 2 + cid
    pltpu.sync_copy(edges_hbm.at[pl.ds(wid * CPT_H, CPT_H)], pk_v)

    mask14 = jnp.full((16,), 16383, jnp.int32)

    def unpack_body(i, _):
        r = i // 8
        s = (i % 8) * 16
        dst_v[r, pl.ds(s, 16)] = pk_v[r, pl.ds(s, 16)] & mask14
        return _

    lax.fori_loop(0, CPT_H * (CHUNK // 16), unpack_body, 0)

    ones16 = jnp.ones((16,), jnp.float32)
    for j in range(CHUNK // 16):
        ones_v[pl.ds(j * 16, 16)] = ones16

    base = sid * HIST_RPT
    zeros16 = jnp.zeros((16,), jnp.float32)

    def zstage_body(j, _):
        stage_v[pl.ds(j * 16, 16)] = zeros16
        return _

    lax.fori_loop(0, HIST_RPT // 16, zstage_body, 0)
    pltpu.sync_copy(stage_v, hist.at[pl.ds(base, HIST_RPT)])
    plsc.subcore_barrier()

    def hist_body(c, _):
        pltpu.sync_copy(ones_v, hist.at[dst_v.at[c]], add=True)
        return _

    lax.fori_loop(0, CPT_H, hist_body, 0)
    plsc.subcore_barrier()

    pltpu.sync_copy(hist.at[pl.ds(base, HIST_RPT)], stage_v)
    pltpu.sync_copy(stage_v, out_hbm.at[pl.ds(cid * NP + base, HIST_RPT)])


@functools.partial(
    pl.kernel,
    out_type=jax.ShapeDtypeStruct((NP, D), jnp.float32),
    mesh=_mesh,
    scratch_types=[
        pltpu.VMEM((NCH, CHUNK), jnp.int32),
        pltpu.VMEM((NCH, CHUNK), jnp.int32),
        pltpu.VMEM((CHUNK, D), jnp.float32),
        pltpu.VMEM((CHUNK, D), jnp.float32),
        pltpu.VMEM((64, D), jnp.float32),
        pltpu.VMEM_SHARED((ACC_R, D), jnp.float32),
        pltpu.SemaphoreType.DMA,
    ],
)
def _edge_agg(g_hbm, edges_hbm, out_hbm,
              src_v, dst_v, rows_a, rows_b, stage_v, acc, gsem):
    cid = lax.axis_index("c")
    sid = lax.axis_index("s")

    pltpu.sync_copy(edges_hbm.at[pl.ds(sid * NCH, NCH)], src_v)

    mask14 = jnp.full((16,), 16383, jnp.int32)
    sh14 = jnp.full((16,), 14, jnp.int32)
    lo = cid * HALF
    junk16 = jnp.full((16,), JUNK, jnp.int32)

    def unpack_body(i, _):
        r = i // 8
        s = (i % 8) * 16
        p = src_v[r, pl.ds(s, 16)]
        dl = (p & mask14) - lo
        ok = (dl >= 0) & (dl < HALF)
        pad16v = jnp.full((16,), PAD_NODE, jnp.int32)
        src_v[r, pl.ds(s, 16)] = jnp.where(
            ok, lax.shift_right_logical(p, sh14), pad16v)
        dst_v[r, pl.ds(s, 16)] = jnp.where(ok, dl, junk16)
        return _

    lax.fori_loop(0, NCH * (CHUNK // 16), unpack_body, 0)

    zeros16 = jnp.zeros((16,), jnp.float32)

    def zrow_body(r, _):
        for j in range(D // 16):
            stage_v[r, pl.ds(j * 16, 16)] = zeros16
        return _

    lax.fori_loop(0, 64, zrow_body, 0)
    base = sid * AGG_RPT
    for k in range(AGG_RPT // 64):
        pltpu.sync_copy(stage_v, acc.at[pl.ds(base + k * 64, 64)])
    plsc.subcore_barrier()

    pltpu.async_copy(g_hbm.at[src_v.at[0]], rows_a, gsem)

    def chunk_body(k, carry):
        c0 = 2 * k
        pltpu.async_copy(g_hbm.at[src_v.at[c0 + 1]], rows_b, gsem)
        pltpu.make_async_copy(g_hbm.at[src_v.at[c0]], rows_a, gsem).wait()
        pltpu.sync_copy(rows_a, acc.at[dst_v.at[c0]], add=True)

        @pl.when(c0 + 2 < NCH)
        def _next():
            pltpu.async_copy(g_hbm.at[src_v.at[c0 + 2]], rows_a, gsem)

        pltpu.make_async_copy(g_hbm.at[src_v.at[c0 + 1]], rows_b, gsem).wait()
        pltpu.sync_copy(rows_b, acc.at[dst_v.at[c0 + 1]], add=True)
        return carry

    lax.fori_loop(0, NCH // 2, chunk_body, 0)
    plsc.subcore_barrier()

    for k in range(AGG_RPT // 64):
        r = base + k * 64
        pltpu.sync_copy(acc.at[pl.ds(r, 64)], stage_v)
        pltpu.sync_copy(stage_v, out_hbm.at[pl.ds(cid * HALF + r, 64)])


_BR = 256
_NB = NP // _BR


def _tc_first_body(deg_ref, x_ref, w_ref, g_ref, dis_ref):
    deg = deg_ref[0, :] + deg_ref[1, :] + 1.0
    dis = lax.rsqrt(deg)
    h = jnp.dot(x_ref[...], w_ref[...], preferred_element_type=jnp.float32)
    g_ref[...] = h * dis[:, None]
    dis_ref[...] = dis[:, None]


def _tc_first(deg_part, x_p, w1):
    return pl.pallas_call(
        _tc_first_body,
        grid=(_NB,),
        in_specs=[
            pl.BlockSpec((2, _BR), lambda i: (0, i)),
            pl.BlockSpec((_BR, D), lambda i: (i, 0)),
            pl.BlockSpec((D, D), lambda i: (0, 0)),
        ],
        out_specs=[
            pl.BlockSpec((_BR, D), lambda i: (i, 0)),
            pl.BlockSpec((_BR, 1), lambda i: (i, 0)),
        ],
        out_shape=[
            jax.ShapeDtypeStruct((NP, D), jnp.float32),
            jax.ShapeDtypeStruct((NP, 1), jnp.float32),
        ],
    )(deg_part, x_p, w1)


def _tc_mid_body(s_ref, g_ref, dis_ref, b_ref, w_ref, out_ref):
    dis = dis_ref[...]
    y = dis * (s_ref[...] + g_ref[...]) + b_ref[...]
    y = jnp.maximum(y, 0.0)
    h = jnp.dot(y, w_ref[...], preferred_element_type=jnp.float32)
    out_ref[...] = h * dis


def _tc_mid(s, g1, dis, b1, w2):
    return pl.pallas_call(
        _tc_mid_body,
        grid=(_NB,),
        in_specs=[
            pl.BlockSpec((_BR, D), lambda i: (i, 0)),
            pl.BlockSpec((_BR, D), lambda i: (i, 0)),
            pl.BlockSpec((_BR, 1), lambda i: (i, 0)),
            pl.BlockSpec((1, D), lambda i: (0, 0)),
            pl.BlockSpec((D, D), lambda i: (0, 0)),
        ],
        out_specs=pl.BlockSpec((_BR, D), lambda i: (i, 0)),
        out_shape=jax.ShapeDtypeStruct((NP, D), jnp.float32),
    )(s, g1, dis, b1, w2)


def _tc_out_body(s_ref, g_ref, dis_ref, b_ref, out_ref):
    out_ref[...] = dis_ref[...] * (s_ref[...] + g_ref[...]) + b_ref[...]


def _tc_out(s, g2, dis, b2):
    return pl.pallas_call(
        _tc_out_body,
        grid=(_NB,),
        in_specs=[
            pl.BlockSpec((_BR, D), lambda i: (i, 0)),
            pl.BlockSpec((_BR, D), lambda i: (i, 0)),
            pl.BlockSpec((_BR, 1), lambda i: (i, 0)),
            pl.BlockSpec((1, D), lambda i: (0, 0)),
        ],
        out_specs=pl.BlockSpec((_BR, D), lambda i: (i, 0)),
        out_shape=jax.ShapeDtypeStruct((NP, D), jnp.float32),
    )(s, g2, dis, b2)


def kernel(x, edge_index, W1, b1, W2, b2):
    E = edge_index.shape[1]
    packed = (edge_index[0] << 14) | edge_index[1]
    pad = jnp.full((EP - E,), (PAD_NODE << 14) | PAD_NODE, jnp.int32)
    packed2d = jnp.concatenate([packed, pad]).reshape(NROWS, CHUNK)

    x_p = jnp.zeros((NP, D), x.dtype).at[:N_NODES].set(x)
    b1r = b1.reshape(1, D)
    b2r = b2.reshape(1, D)

    deg_part = _deg_hist(packed2d).reshape(2, NP)
    g1, dis = _tc_first(deg_part, x_p, W1)

    s1 = _edge_agg(g1, packed2d)
    g2 = _tc_mid(s1, g1, dis, b1r, W2)

    s2 = _edge_agg(g2, packed2d)
    out = _tc_out(s2, g2, dis, b2r)
    return out[:N_NODES]

# --- scband reference (transcript-rebuilt; emitter-appended) ---
"""Pipeline reference for scband-pyg-gcn-13365938225231 (READ-ONLY COPY).

The authoritative reference and input builder live on the scoring server;
editing this copy changes nothing except your own understanding.
"""

import jax, jax.numpy as jnp
import numpy as np

N = 10000
E = 320000
D_IN = 128
D_HID = 128
D_OUT = 128


def setup_inputs(seed: int = 0) -> dict:
    key = jax.random.key(seed)
    k1, k2, k3, k4 = jax.random.split(key, 4)
    x = jax.random.normal(k1, (N, D_IN), dtype=jnp.float32)
    edge_index = jax.random.randint(k2, (2, E), 0, N, dtype=jnp.int32)
    W1 = jax.random.normal(k3, (D_IN, D_HID), dtype=jnp.float32) * 0.05
    b1 = jnp.zeros((D_HID,), dtype=jnp.float32)
    W2 = jax.random.normal(k4, (D_HID, D_OUT), dtype=jnp.float32) * 0.05
    b2 = jnp.zeros((D_OUT,), dtype=jnp.float32)
    return {"x": x, "edge_index": edge_index, "W1": W1, "b1": b1, "W2": W2, "b2": b2}


def gcn_conv(x, edge_index, W, b):
    # PyG GCNConv: add self-loops, symmetric normalization, linear, scatter-add, bias
    loop = jnp.arange(N, dtype=edge_index.dtype)
    src = jnp.concatenate([edge_index[0], loop])
    dst = jnp.concatenate([edge_index[1], loop])
    ones = jnp.ones(src.shape[0], dtype=x.dtype)
    deg = jax.ops.segment_sum(ones, dst, num_segments=N)
    deg_inv_sqrt = jnp.where(deg > 0, deg ** -0.5, 0.0)
    norm = deg_inv_sqrt[src] * deg_inv_sqrt[dst]
    h = x @ W
    msg = h[src] * norm[:, None]
    out = jax.ops.segment_sum(msg, dst, num_segments=N)
    return out + b


def reference(x, edge_index, W1, b1, W2, b2):
    # eval mode: dropout(p=0.5, training=False) is identity
    h = jax.nn.relu(gcn_conv(x, edge_index, W1, b1))
    out = gcn_conv(h, edge_index, W2, b2)
    return out

if __name__ == "__main__":
    import jax
    _d = setup_inputs()
    print(jax.jit(kernel)(*tuple(_d.values())))

</pallas_src>

<mosaic_0001>
#map = affine_map<(d0, d1) -> (0, 0)>
module attributes {stable_mosaic.version = 14 : i64} {
  func.func @_edge_agg(%arg0: i32, %arg1: i32, %arg2: memref<10240x128xf32, #tpu.memory_space<hbm>>, %arg3: memref<2560x128xi32, #tpu.memory_space<hbm>>, %arg4: memref<10240x128xf32, #tpu.memory_space<hbm>>, %arg5: memref<160x128xi32, #tpu.memory_space<vmem>>, %arg6: memref<160x128xi32, #tpu.memory_space<vmem>>, %arg7: memref<128x128xf32, #tpu.memory_space<vmem>>, %arg8: memref<128x128xf32, #tpu.memory_space<vmem>>, %arg9: memref<64x128xf32, #tpu.memory_space<vmem>>, %arg10: memref<5128x128xf32, #tpu.memory_space<vmem_shared>>, %arg11: memref<!tpu.dma_semaphore, #tpu.memory_space<semaphore_mem>>) attributes {dimension_semantics = [#tpu.dimension_semantics<core_parallel>, #tpu.dimension_semantics<subcore_parallel>], iteration_bounds = array<i64: 2, 16>, scalar_prefetch = 0 : i64, scratch_operands = 7 : i64, tpu.core_type = #tpu.core_type<sc_vector_subcore>, window_params = [{transform_indices = #map}, {transform_indices = #map}, {transform_indices = #map}]} {
    %mul3A = arith.constant 160 : i32
    %mul3A_0 = arith.muli %arg1, %mul3A : i32
    "tpu.region"() ({
      %run_scoped3A = tpu.sem_alloc : memref<!tpu.dma_semaphore, #tpu.memory_space<semaphore_mem>>
      %dma_start3A_70 = arith.constant 0 : i32
      %dma_start3A_71 = tpu.memref_slice %arg3[%mul3A_0, %dma_start3A_70] : memref<2560x128xi32, #tpu.memory_space<hbm>> -> memref<160x128xi32, #tpu.memory_space<hbm>>
      %dma_start3A_72 = arith.constant 0 : i32
      %dma_start3A_73 = tpu.memref_slice %arg3[%mul3A_0, %dma_start3A_72] : memref<2560x128xi32, #tpu.memory_space<hbm>> -> memref<160x128xi32, #tpu.memory_space<hbm>>
      tpu.enqueue_dma source(%dma_start3A_73 : memref<160x128xi32, #tpu.memory_space<hbm>>) target(%arg5 : memref<160x128xi32, #tpu.memory_space<vmem>>) target_semaphore(%run_scoped3A : memref<!tpu.dma_semaphore, #tpu.memory_space<semaphore_mem>>)
      %dma_wait3A = arith.constant 0 : i32
      %dma_wait3A_74 = tpu.memref_slice %arg3[%mul3A_0, %dma_wait3A] : memref<2560x128xi32, #tpu.memory_space<hbm>> -> memref<160x128xi32, #tpu.memory_space<hbm>>
      %dma_wait3A_75 = arith.constant 0 : i32
      %dma_wait3A_76 = tpu.memref_slice %arg3[%mul3A_0, %dma_wait3A_75] : memref<2560x128xi32, #tpu.memory_space<hbm>> -> memref<160x128xi32, #tpu.memory_space<hbm>>
      tpu.wait_dma2 semaphore(%run_scoped3A : memref<!tpu.dma_semaphore, #tpu.memory_space<semaphore_mem>>) src(%dma_wait3A_76 : memref<160x128xi32, #tpu.memory_space<hbm>>) dst(%arg5 : memref<160x128xi32, #tpu.memory_space<vmem>>)
      tpu.yield
    }) : () -> ()
    %broadcast_in_dim3A = arith.constant 16383 : i32
    %broadcast_in_dim3A_1 = vector.broadcast %broadcast_in_dim3A : i32 to vector<16xi32>
    %broadcast_in_dim3A_2 = arith.constant 14 : i32
    %broadcast_in_dim3A_3 = vector.broadcast %broadcast_in_dim3A_2 : i32 to vector<16xi32>
    %mul3A_4 = arith.constant 5120 : i32
    %mul3A_5 = arith.muli %arg0, %mul3A_4 : i32
    %broadcast_in_dim3A_6 = arith.constant 5120 : i32
    %broadcast_in_dim3A_7 = vector.broadcast %broadcast_in_dim3A_6 : i32 to vector<16xi32>
    %scan3A = arith.constant 0 : i32
    %scan3A_8 = arith.constant 0 : i32
    %scan3A_9 = arith.constant 1280 : i32
    %scan3A_10 = arith.addi %scan3A_8, %scan3A_9 : i32
    %scan3A_11 = arith.constant 1 : i32
    scf.for %scan3A_70 = %scan3A_8 to %scan3A_10 step %scan3A_11  : i32 {
      %jit3A = arith.constant 8 : i32
      %div3A = arith.divsi %scan3A_70, %jit3A : i32
      %sign3A = arith.constant 0 : i32
      %sign3A_71 = arith.cmpi sgt, %scan3A_70, %sign3A : i32
      %sign3A_72 = arith.extui %sign3A_71 : i1 to i32
      %sign3A_73 = arith.constant 0 : i32
      %sign3A_74 = arith.cmpi slt, %scan3A_70, %sign3A_73 : i32
      %sign3A_75 = arith.extui %sign3A_74 : i1 to i32
      %sign3A_76 = arith.subi %sign3A_72, %sign3A_75 : i32
      %sign3A_77 = arith.constant 0 : i32
      %sign3A_78 = arith.cmpi sgt, %jit3A, %sign3A_77 : i32
      %sign3A_79 = arith.extui %sign3A_78 : i1 to i32
      %sign3A_80 = arith.constant 0 : i32
      %sign3A_81 = arith.cmpi slt, %jit3A, %sign3A_80 : i32
      %sign3A_82 = arith.extui %sign3A_81 : i1 to i32
      %sign3A_83 = arith.subi %sign3A_79, %sign3A_82 : i32
      %ne3A = arith.cmpi ne, %sign3A_76, %sign3A_83 : i32
      %rem3A = arith.remsi %scan3A_70, %jit3A : i32
      %ne3A_84 = arith.constant 0 : i32
      %ne3A_85 = arith.cmpi ne, %rem3A, %ne3A_84 : i32
      %and3A = arith.andi %ne3A, %ne3A_85 : i1
      %sub3A = arith.constant 1 : i32
      %sub3A_86 = arith.subi %div3A, %sub3A : i32
      %select_n3A = arith.select %and3A, %sub3A_86, %div3A : i32
      %jit3A_87 = arith.constant 8 : i32
      %eq3A = arith.constant 0 : i32
      %eq3A_88 = arith.cmpi eq, %jit3A_87, %eq3A : i32
      %jit3A_89 = arith.constant 1 : i32
      %select_n3A_90 = arith.select %eq3A_88, %jit3A_89, %jit3A_87 : i32
      %rem3A_91 = arith.remsi %scan3A_70, %select_n3A_90 : i32
      %ne3A_92 = arith.constant 0 : i32
      %ne3A_93 = arith.cmpi ne, %rem3A_91, %ne3A_92 : i32
      %lt3A = arith.constant 0 : i32
      %lt3A_94 = arith.cmpi slt, %rem3A_91, %lt3A : i32
      %lt3A_95 = arith.constant 0 : i32
      %lt3A_96 = arith.cmpi slt, %select_n3A_90, %lt3A_95 : i32
      %ne3A_97 = arith.xori %lt3A_94, %lt3A_96 : i1
      %and3A_98 = arith.andi %ne3A_97, %ne3A_93 : i1
      %add3A_99 = arith.addi %rem3A_91, %select_n3A_90 : i32
      %select_n3A_100 = arith.select %and3A_98, %add3A_99, %rem3A_91 : i32
      %mul3A_101 = arith.constant 16 : i32
      %mul3A_102 = arith.muli %select_n3A_100, %mul3A_101 : i32
      %get3A = arith.index_cast %select_n3A : i32 to index
      %get3A_103 = arith.index_cast %mul3A_102 : i32 to index
      %get3A_104 = tpu.vector_load %arg5[%get3A, %get3A_103] {strides = array<i32>} : memref<160x128xi32, #tpu.memory_space<vmem>>, vector<1x16xi32>,
      %get3A_105 = vector.shape_cast %get3A_104 : vector<1x16xi32> to vector<16xi32>
      %and3A_106 = arith.andi %get3A_105, %broadcast_in_dim3A_1 : vector<16xi32>
      %sub3A_107 = vector.broadcast %mul3A_5 : i32 to vector<16xi32>
      %sub3A_108 = arith.subi %and3A_106, %sub3A_107 : vector<16xi32>
      %ge3A = arith.constant 0 : i32
      %ge3A_109 = vector.broadcast %ge3A : i32 to vector<16xi32>
      %ge3A_110 = arith.cmpi sge, %sub3A_108, %ge3A_109 : vector<16xi32>
      %lt3A_111 = arith.constant 5120 : i32
      %lt3A_112 = vector.broadcast %lt3A_111 : i32 to vector<16xi32>
      %lt3A_113 = arith.cmpi slt, %sub3A_108, %lt3A_112 : vector<16xi32>
      %and3A_114 = arith.andi %ge3A_110, %lt3A_113 : vector<16xi1>
      %broadcast_in_dim3A_115 = arith.constant 10239 : i32
      %broadcast_in_dim3A_116 = vector.broadcast %broadcast_in_dim3A_115 : i32 to vector<16xi32>
      %shift_right_logical3A = arith.shrui %get3A_105, %broadcast_in_dim3A_3 : vector<16xi32>
      %select_n3A_117 = arith.select %and3A_114, %shift_right_logical3A, %broadcast_in_dim3A_116 : vector<16xi1>, vector<16xi32>
      %swap3A = arith.index_cast %select_n3A : i32 to index
      %swap3A_118 = arith.index_cast %mul3A_102 : i32 to index
      %swap3A_119 = tpu.vector_load %arg5[%swap3A, %swap3A_118] {strides = array<i32>} : memref<160x128xi32, #tpu.memory_space<vmem>>, vector<1x16xi32>,
      %swap3A_120 = vector.shape_cast %swap3A_119 : vector<1x16xi32> to vector<16xi32>
      %swap3A_121 = vector.shape_cast %select_n3A_117 : vector<16xi32> to vector<1x16xi32>
      tpu.vector_store %arg5[%swap3A, %swap3A_118], %swap3A_121 {strides = array<i32>} : memref<160x128xi32, #tpu.memory_space<vmem>>, vector<1x16xi32>,
      %select_n3A_122 = arith.select %and3A_114, %sub3A_108, %broadcast_in_dim3A_7 : vector<16xi1>, vector<16xi32>
      %swap3A_123 = arith.index_cast %select_n3A : i32 to index
      %swap3A_124 = arith.index_cast %mul3A_102 : i32 to index
      %swap3A_125 = tpu.vector_load %arg6[%swap3A_123, %swap3A_124] {strides = array<i32>} : memref<160x128xi32, #tpu.memory_space<vmem>>, vector<1x16xi32>,
      %swap3A_126 = vector.shape_cast %swap3A_125 : vector<1x16xi32> to vector<16xi32>
      %swap3A_127 = vector.shape_cast %select_n3A_122 : vector<16xi32> to vector<1x16xi32>
      tpu.vector_store %arg6[%swap3A_123, %swap3A_124], %swap3A_127 {strides = array<i32>} : memref<160x128xi32, #tpu.memory_space<vmem>>, vector<1x16xi32>,
    }
    %scan3A_12 = arith.constant 1280 : i32
    %broadcast_in_dim3A_13 = arith.constant 0.000000e+00 : f32
    %broadcast_in_dim3A_14 = vector.broadcast %broadcast_in_dim3A_13 : f32 to vector<16xf32>
    %scan3A_15 = arith.constant 0 : i32
    %scan3A_16 = arith.constant 0 : i32
    %scan3A_17 = arith.constant 64 : i32
    %scan3A_18 = arith.addi %scan3A_16, %scan3A_17 : i32
    %scan3A_19 = arith.constant 1 : i32
    scf.for %scan3A_70 = %scan3A_16 to %scan3A_18 step %scan3A_19  : i32 {
      %swap3A = arith.index_cast %scan3A_70 : i32 to index
      %swap3A_71 = arith.constant 0 : index
      %swap3A_72 = tpu.vector_load %arg9[%swap3A, %swap3A_71] {strides = array<i32>} : memref<64x128xf32, #tpu.memory_space<vmem>>, vector<1x16xf32>,
      %swap3A_73 = vector.shape_cast %swap3A_72 : vector<1x16xf32> to vector<16xf32>
      %swap3A_74 = vector.shape_cast %broadcast_in_dim3A_14 : vector<16xf32> to vector<1x16xf32>
      tpu.vector_store %arg9[%swap3A, %swap3A_71], %swap3A_74 {strides = array<i32>} : memref<64x128xf32, #tpu.memory_space<vmem>>, vector<1x16xf32>,
      %swap3A_75 = arith.index_cast %scan3A_70 : i32 to index
      %swap3A_76 = arith.constant 16 : index
      %swap3A_77 = tpu.vector_load %arg9[%swap3A_75, %swap3A_76] {strides = array<i32>} : memref<64x128xf32, #tpu.memory_space<vmem>>, vector<1x16xf32>,
      %swap3A_78 = vector.shape_cast %swap3A_77 : vector<1x16xf32> to vector<16xf32>
      %swap3A_79 = vector.shape_cast %broadcast_in_dim3A_14 : vector<16xf32> to vector<1x16xf32>
      tpu.vector_store %arg9[%swap3A_75, %swap3A_76], %swap3A_79 {strides = array<i32>} : memref<64x128xf32, #tpu.memory_space<vmem>>, vector<1x16xf32>,
      %swap3A_80 = arith.index_cast %scan3A_70 : i32 to index
      %swap3A_81 = arith.constant 32 : index
      %swap3A_82 = tpu.vector_load %arg9[%swap3A_80, %swap3A_81] {strides = array<i32>} : memref<64x128xf32, #tpu.memory_space<vmem>>, vector<1x16xf32>,
      %swap3A_83 = vector.shape_cast %swap3A_82 : vector<1x16xf32> to vector<16xf32>
      %swap3A_84 = vector.shape_cast %broadcast_in_dim3A_14 : vector<16xf32> to vector<1x16xf32>
      tpu.vector_store %arg9[%swap3A_80, %swap3A_81], %swap3A_84 {strides = array<i32>} : memref<64x128xf32, #tpu.memory_space<vmem>>, vector<1x16xf32>,
      %swap3A_85 = arith.index_cast %scan3A_70 : i32 to index
      %swap3A_86 = arith.constant 48 : index
      %swap3A_87 = tpu.vector_load %arg9[%swap3A_85, %swap3A_86] {strides = array<i32>} : memref<64x128xf32, #tpu.memory_space<vmem>>, vector<1x16xf32>,
      %swap3A_88 = vector.shape_cast %swap3A_87 : vector<1x16xf32> to vector<16xf32>
      %swap3A_89 = vector.shape_cast %broadcast_in_dim3A_14 : vector<16xf32> to vector<1x16xf32>
      tpu.vector_store %arg9[%swap3A_85, %swap3A_86], %swap3A_89 {strides = array<i32>} : memref<64x128xf32, #tpu.memory_space<vmem>>, vector<1x16xf32>,
      %swap3A_90 = arith.index_cast %scan3A_70 : i32 to index
      %swap3A_91 = arith.constant 64 : index
      %swap3A_92 = tpu.vector_load %arg9[%swap3A_90, %swap3A_91] {strides = array<i32>} : memref<64x128xf32, #tpu.memory_space<vmem>>, vector<1x16xf32>,
      %swap3A_93 = vector.shape_cast %swap3A_92 : vector<1x16xf32> to vector<16xf32>
      %swap3A_94 = vector.shape_cast %broadcast_in_dim3A_14 : vector<16xf32> to vector<1x16xf32>
      tpu.vector_store %arg9[%swap3A_90, %swap3A_91], %swap3A_94 {strides = array<i32>} : memref<64x128xf32, #tpu.memory_space<vmem>>, vector<1x16xf32>,
      %swap3A_95 = arith.index_cast %scan3A_70 : i32 to index
      %swap3A_96 = arith.constant 80 : index
      %swap3A_97 = tpu.vector_load %arg9[%swap3A_95, %swap3A_96] {strides = array<i32>} : memref<64x128xf32, #tpu.memory_space<vmem>>, vector<1x16xf32>,
      %swap3A_98 = vector.shape_cast %swap3A_97 : vector<1x16xf32> to vector<16xf32>
      %swap3A_99 = vector.shape_cast %broadcast_in_dim3A_14 : vector<16xf32> to vector<1x16xf32>
      tpu.vector_store %arg9[%swap3A_95, %swap3A_96], %swap3A_99 {strides = array<i32>} : memref<64x128xf32, #tpu.memory_space<vmem>>, vector<1x16xf32>,
      %swap3A_100 = arith.index_cast %scan3A_70 : i32 to index
      %swap3A_101 = arith.constant 96 : index
      %swap3A_102 = tpu.vector_load %arg9[%swap3A_100, %swap3A_101] {strides = array<i32>} : memref<64x128xf32, #tpu.memory_space<vmem>>, vector<1x16xf32>,
      %swap3A_103 = vector.shape_cast %swap3A_102 : vector<1x16xf32> to vector<16xf32>
      %swap3A_104 = vector.shape_cast %broadcast_in_dim3A_14 : vector<16xf32> to vector<1x16xf32>
      tpu.vector_store %arg9[%swap3A_100, %swap3A_101], %swap3A_104 {strides = array<i32>} : memref<64x128xf32, #tpu.memory_space<vmem>>, vector<1x16xf32>,
      %swap3A_105 = arith.index_cast %scan3A_70 : i32 to index
      %swap3A_106 = arith.constant 112 : index
      %swap3A_107 = tpu.vector_load %arg9[%swap3A_105, %swap3A_106] {strides = array<i32>} : memref<64x128xf32, #tpu.memory_space<vmem>>, vector<1x16xf32>,
      %swap3A_108 = vector.shape_cast %swap3A_107 : vector<1x16xf32> to vector<16xf32>
      %swap3A_109 = vector.shape_cast %broadcast_in_dim3A_14 : vector<16xf32> to vector<1x16xf32>
      tpu.vector_store %arg9[%swap3A_105, %swap3A_106], %swap3A_109 {strides = array<i32>} : memref<64x128xf32, #tpu.memory_space<vmem>>, vector<1x16xf32>,
    }
    %scan3A_20 = arith.constant 64 : i32
    %mul3A_21 = arith.constant 320 : i32
    %mul3A_22 = arith.muli %arg1, %mul3A_21 : i32
    %add3A = arith.constant 0 : i32
    %add3A_23 = arith.addi %mul3A_22, %add3A : i32
    "tpu.region"() ({
      %run_scoped3A = tpu.sem_alloc : memref<!tpu.dma_semaphore, #tpu.memory_space<semaphore_mem>>
      %dma_start3A_70 = arith.constant 0 : i32
      %dma_start3A_71 = tpu.memref_slice %arg10[%add3A_23, %dma_start3A_70] : memref<5128x128xf32, #tpu.memory_space<vmem_shared>> -> memref<64x128xf32, #tpu.memory_space<vmem_shared>>
      %dma_start3A_72 = arith.constant 0 : i32
      %dma_start3A_73 = tpu.memref_slice %arg10[%add3A_23, %dma_start3A_72] : memref<5128x128xf32, #tpu.memory_space<vmem_shared>> -> memref<64x128xf32, #tpu.memory_space<vmem_shared>>
      tpu.enqueue_dma source(%arg9 : memref<64x128xf32, #tpu.memory_space<vmem>>) target(%dma_start3A_73 : memref<64x128xf32, #tpu.memory_space<vmem_shared>>) target_semaphore(%run_scoped3A : memref<!tpu.dma_semaphore, #tpu.memory_space<semaphore_mem>>)
      %dma_wait3A = arith.constant 0 : i32
      %dma_wait3A_74 = tpu.memref_slice %arg10[%add3A_23, %dma_wait3A] : memref<5128x128xf32, #tpu.memory_space<vmem_shared>> -> memref<64x128xf32, #tpu.memory_space<vmem_shared>>
      %dma_wait3A_75 = arith.constant 0 : i32
      %dma_wait3A_76 = tpu.memref_slice %arg10[%add3A_23, %dma_wait3A_75] : memref<5128x128xf32, #tpu.memory_space<vmem_shared>> -> memref<64x128xf32, #tpu.memory_space<vmem_shared>>
      tpu.wait_dma2 semaphore(%run_scoped3A : memref<!tpu.dma_semaphore, #tpu.memory_space<semaphore_mem>>) src(%arg9 : memref<64x128xf32, #tpu.memory_space<vmem>>) dst(%dma_wait3A_76 : memref<64x128xf32, #tpu.memory_space<vmem_shared>>)
      tpu.yield
    }) : () -> ()
    %add3A_24 = arith.constant 64 : i32
    %add3A_25 = arith.addi %mul3A_22, %add3A_24 : i32
    "tpu.region"() ({
      %run_scoped3A = tpu.sem_alloc : memref<!tpu.dma_semaphore, #tpu.memory_space<semaphore_mem>>
      %dma_start3A_70 = arith.constant 0 : i32
      %dma_start3A_71 = tpu.memref_slice %arg10[%add3A_25, %dma_start3A_70] : memref<5128x128xf32, #tpu.memory_space<vmem_shared>> -> memref<64x128xf32, #tpu.memory_space<vmem_shared>>
      %dma_start3A_72 = arith.constant 0 : i32
      %dma_start3A_73 = tpu.memref_slice %arg10[%add3A_25, %dma_start3A_72] : memref<5128x128xf32, #tpu.memory_space<vmem_shared>> -> memref<64x128xf32, #tpu.memory_space<vmem_shared>>
      tpu.enqueue_dma source(%arg9 : memref<64x128xf32, #tpu.memory_space<vmem>>) target(%dma_start3A_73 : memref<64x128xf32, #tpu.memory_space<vmem_shared>>) target_semaphore(%run_scoped3A : memref<!tpu.dma_semaphore, #tpu.memory_space<semaphore_mem>>)
      %dma_wait3A = arith.constant 0 : i32
      %dma_wait3A_74 = tpu.memref_slice %arg10[%add3A_25, %dma_wait3A] : memref<5128x128xf32, #tpu.memory_space<vmem_shared>> -> memref<64x128xf32, #tpu.memory_space<vmem_shared>>
      %dma_wait3A_75 = arith.constant 0 : i32
      %dma_wait3A_76 = tpu.memref_slice %arg10[%add3A_25, %dma_wait3A_75] : memref<5128x128xf32, #tpu.memory_space<vmem_shared>> -> memref<64x128xf32, #tpu.memory_space<vmem_shared>>
      tpu.wait_dma2 semaphore(%run_scoped3A : memref<!tpu.dma_semaphore, #tpu.memory_space<semaphore_mem>>) src(%arg9 : memref<64x128xf32, #tpu.memory_space<vmem>>) dst(%dma_wait3A_76 : memref<64x128xf32, #tpu.memory_space<vmem_shared>>)
      tpu.yield
    }) : () -> ()
    %add3A_26 = arith.constant 128 : i32
    %add3A_27 = arith.addi %mul3A_22, %add3A_26 : i32
    "tpu.region"() ({
      %run_scoped3A = tpu.sem_alloc : memref<!tpu.dma_semaphore, #tpu.memory_space<semaphore_mem>>
      %dma_start3A_70 = arith.constant 0 : i32
      %dma_start3A_71 = tpu.memref_slice %arg10[%add3A_27, %dma_start3A_70] : memref<5128x128xf32, #tpu.memory_space<vmem_shared>> -> memref<64x128xf32, #tpu.memory_space<vmem_shared>>
      %dma_start3A_72 = arith.constant 0 : i32
      %dma_start3A_73 = tpu.memref_slice %arg10[%add3A_27, %dma_start3A_72] : memref<5128x128xf32, #tpu.memory_space<vmem_shared>> -> memref<64x128xf32, #tpu.memory_space<vmem_shared>>
      tpu.enqueue_dma source(%arg9 : memref<64x128xf32, #tpu.memory_space<vmem>>) target(%dma_start3A_73 : memref<64x128xf32, #tpu.memory_space<vmem_shared>>) target_semaphore(%run_scoped3A : memref<!tpu.dma_semaphore, #tpu.memory_space<semaphore_mem>>)
      %dma_wait3A = arith.constant 0 : i32
      %dma_wait3A_74 = tpu.memref_slice %arg10[%add3A_27, %dma_wait3A] : memref<5128x128xf32, #tpu.memory_space<vmem_shared>> -> memref<64x128xf32, #tpu.memory_space<vmem_shared>>
      %dma_wait3A_75 = arith.constant 0 : i32
      %dma_wait3A_76 = tpu.memref_slice %arg10[%add3A_27, %dma_wait3A_75] : memref<5128x128xf32, #tpu.memory_space<vmem_shared>> -> memref<64x128xf32, #tpu.memory_space<vmem_shared>>
      tpu.wait_dma2 semaphore(%run_scoped3A : memref<!tpu.dma_semaphore, #tpu.memory_space<semaphore_mem>>) src(%arg9 : memref<64x128xf32, #tpu.memory_space<vmem>>) dst(%dma_wait3A_76 : memref<64x128xf32, #tpu.memory_space<vmem_shared>>)
      tpu.yield
    }) : () -> ()
    %add3A_28 = arith.constant 192 : i32
    %add3A_29 = arith.addi %mul3A_22, %add3A_28 : i32
    "tpu.region"() ({
      %run_scoped3A = tpu.sem_alloc : memref<!tpu.dma_semaphore, #tpu.memory_space<semaphore_mem>>
      %dma_start3A_70 = arith.constant 0 : i32
      %dma_start3A_71 = tpu.memref_slice %arg10[%add3A_29, %dma_start3A_70] : memref<5128x128xf32, #tpu.memory_space<vmem_shared>> -> memref<64x128xf32, #tpu.memory_space<vmem_shared>>
      %dma_start3A_72 = arith.constant 0 : i32
      %dma_start3A_73 = tpu.memref_slice %arg10[%add3A_29, %dma_start3A_72] : memref<5128x128xf32, #tpu.memory_space<vmem_shared>> -> memref<64x128xf32, #tpu.memory_space<vmem_shared>>
      tpu.enqueue_dma source(%arg9 : memref<64x128xf32, #tpu.memory_space<vmem>>) target(%dma_start3A_73 : memref<64x128xf32, #tpu.memory_space<vmem_shared>>) target_semaphore(%run_scoped3A : memref<!tpu.dma_semaphore, #tpu.memory_space<semaphore_mem>>)
      %dma_wait3A = arith.constant 0 : i32
      %dma_wait3A_74 = tpu.memref_slice %arg10[%add3A_29, %dma_wait3A] : memref<5128x128xf32, #tpu.memory_space<vmem_shared>> -> memref<64x128xf32, #tpu.memory_space<vmem_shared>>
      %dma_wait3A_75 = arith.constant 0 : i32
      %dma_wait3A_76 = tpu.memref_slice %arg10[%add3A_29, %dma_wait3A_75] : memref<5128x128xf32, #tpu.memory_space<vmem_shared>> -> memref<64x128xf32, #tpu.memory_space<vmem_shared>>
      tpu.wait_dma2 semaphore(%run_scoped3A : memref<!tpu.dma_semaphore, #tpu.memory_space<semaphore_mem>>) src(%arg9 : memref<64x128xf32, #tpu.memory_space<vmem>>) dst(%dma_wait3A_76 : memref<64x128xf32, #tpu.memory_space<vmem_shared>>)
      tpu.yield
    }) : () -> ()
    %add3A_30 = arith.constant 256 : i32
    %add3A_31 = arith.addi %mul3A_22, %add3A_30 : i32
    "tpu.region"() ({
      %run_scoped3A = tpu.sem_alloc : memref<!tpu.dma_semaphore, #tpu.memory_space<semaphore_mem>>
      %dma_start3A_70 = arith.constant 0 : i32
      %dma_start3A_71 = tpu.memref_slice %arg10[%add3A_31, %dma_start3A_70] : memref<5128x128xf32, #tpu.memory_space<vmem_shared>> -> memref<64x128xf32, #tpu.memory_space<vmem_shared>>
      %dma_start3A_72 = arith.constant 0 : i32
      %dma_start3A_73 = tpu.memref_slice %arg10[%add3A_31, %dma_start3A_72] : memref<5128x128xf32, #tpu.memory_space<vmem_shared>> -> memref<64x128xf32, #tpu.memory_space<vmem_shared>>
      tpu.enqueue_dma source(%arg9 : memref<64x128xf32, #tpu.memory_space<vmem>>) target(%dma_start3A_73 : memref<64x128xf32, #tpu.memory_space<vmem_shared>>) target_semaphore(%run_scoped3A : memref<!tpu.dma_semaphore, #tpu.memory_space<semaphore_mem>>)
      %dma_wait3A = arith.constant 0 : i32
      %dma_wait3A_74 = tpu.memref_slice %arg10[%add3A_31, %dma_wait3A] : memref<5128x128xf32, #tpu.memory_space<vmem_shared>> -> memref<64x128xf32, #tpu.memory_space<vmem_shared>>
      %dma_wait3A_75 = arith.constant 0 : i32
      %dma_wait3A_76 = tpu.memref_slice %arg10[%add3A_31, %dma_wait3A_75] : memref<5128x128xf32, #tpu.memory_space<vmem_shared>> -> memref<64x128xf32, #tpu.memory_space<vmem_shared>>
      tpu.wait_dma2 semaphore(%run_scoped3A : memref<!tpu.dma_semaphore, #tpu.memory_space<semaphore_mem>>) src(%arg9 : memref<64x128xf32, #tpu.memory_space<vmem>>) dst(%dma_wait3A_76 : memref<64x128xf32, #tpu.memory_space<vmem_shared>>)
      tpu.yield
    }) : () -> ()
    %barrier3A = arith.constant 0 : index
    tpu.barrier barrier_id(%barrier3A)
    %dma_start3A = arith.constant 0 : i32
    %dma_start3A_32 = arith.constant 0 : i32
    %dma_start3A_33 = tpu.memref_slice %arg5[%dma_start3A, %dma_start3A_32] : memref<160x128xi32, #tpu.memory_space<vmem>> -> memref<1x128xi32, #tpu.memory_space<vmem>>
    %dma_start3A_34 = tpu.memref_squeeze %dma_start3A_33 : memref<1x128xi32, #tpu.memory_space<vmem>> -> memref<128xi32, #tpu.memory_space<vmem>>
    %dma_start3A_35 = arith.constant 0 : i32
    %dma_start3A_36 = arith.constant 0 : i32
    %dma_start3A_37 = tpu.memref_slice %arg2[%dma_start3A_35, %dma_start3A_36] : memref<10240x128xf32, #tpu.memory_space<hbm>> -> memref<10240x128xf32, #tpu.memory_space<hbm>>
    tpu.enqueue_indirect_dma source(%dma_start3A_37 : memref<10240x128xf32, #tpu.memory_space<hbm>>) target(%arg7 : memref<128x128xf32, #tpu.memory_space<vmem>>) offsets(%dma_start3A_34 : memref<128xi32, #tpu.memory_space<vmem>>) semaphore(%arg11 : memref<!tpu.dma_semaphore, #tpu.memory_space<semaphore_mem>>)
    %scan3A_38 = arith.constant 0 : i32
    %scan3A_39 = arith.constant 0 : i32
    %scan3A_40 = arith.constant 80 : i32
    %scan3A_41 = arith.addi %scan3A_39, %scan3A_40 : i32
    %scan3A_42 = arith.constant 1 : i32
    scf.for %scan3A_70 = %scan3A_39 to %scan3A_41 step %scan3A_42  : i32 {
      %mul3A_71 = arith.constant 2 : i32
      %mul3A_72 = arith.muli %mul3A_71, %scan3A_70 : i32
      %add3A_73 = arith.constant 1 : i32
      %add3A_74 = arith.addi %mul3A_72, %add3A_73 : i32
      %dma_start3A_75 = arith.constant 0 : i32
      %dma_start3A_76 = tpu.memref_slice %arg5[%add3A_74, %dma_start3A_75] : memref<160x128xi32, #tpu.memory_space<vmem>> -> memref<1x128xi32, #tpu.memory_space<vmem>>
      %dma_start3A_77 = tpu.memref_squeeze %dma_start3A_76 : memref<1x128xi32, #tpu.memory_space<vmem>> -> memref<128xi32, #tpu.memory_space<vmem>>
      %dma_start3A_78 = arith.constant 0 : i32
      %dma_start3A_79 = arith.constant 0 : i32
      %dma_start3A_80 = tpu.memref_slice %arg2[%dma_start3A_78, %dma_start3A_79] : memref<10240x128xf32, #tpu.memory_space<hbm>> -> memref<10240x128xf32, #tpu.memory_space<hbm>>
      tpu.enqueue_indirect_dma source(%dma_start3A_80 : memref<10240x128xf32, #tpu.memory_space<hbm>>) target(%arg8 : memref<128x128xf32, #tpu.memory_space<vmem>>) offsets(%dma_start3A_77 : memref<128xi32, #tpu.memory_space<vmem>>) semaphore(%arg11 : memref<!tpu.dma_semaphore, #tpu.memory_space<semaphore_mem>>)
      %dma_wait3A = arith.constant 0 : i32
      %dma_wait3A_81 = tpu.memref_slice %arg5[%mul3A_72, %dma_wait3A] : memref<160x128xi32, #tpu.memory_space<vmem>> -> memref<1x128xi32, #tpu.memory_space<vmem>>
      %dma_wait3A_82 = tpu.memref_squeeze %dma_wait3A_81 : memref<1x128xi32, #tpu.memory_space<vmem>> -> memref<128xi32, #tpu.memory_space<vmem>>
      %dma_wait3A_83 = arith.constant 0 : i32
      %dma_wait3A_84 = arith.constant 0 : i32
      %dma_wait3A_85 = tpu.memref_slice %arg2[%dma_wait3A_83, %dma_wait3A_84] : memref<10240x128xf32, #tpu.memory_space<hbm>> -> memref<10240x128xf32, #tpu.memory_space<hbm>>
      tpu.wait_indirect_dma semaphore(%arg11 : memref<!tpu.dma_semaphore, #tpu.memory_space<semaphore_mem>>) src(%dma_wait3A_85 : memref<10240x128xf32, #tpu.memory_space<hbm>>) dst(%arg7 : memref<128x128xf32, #tpu.memory_space<vmem>>)
      "tpu.region"() ({
        %run_scoped3A = tpu.sem_alloc : memref<!tpu.dma_semaphore, #tpu.memory_space<semaphore_mem>>
        %dma_start3A_100 = arith.constant 0 : i32
        %dma_start3A_101 = tpu.memref_slice %arg6[%mul3A_72, %dma_start3A_100] : memref<160x128xi32, #tpu.memory_space<vmem>> -> memref<1x128xi32, #tpu.memory_space<vmem>>
        %dma_start3A_102 = tpu.memref_squeeze %dma_start3A_101 : memref<1x128xi32, #tpu.memory_space<vmem>> -> memref<128xi32, #tpu.memory_space<vmem>>
        %dma_start3A_103 = arith.constant 0 : i32
        %dma_start3A_104 = arith.constant 0 : i32
        %dma_start3A_105 = tpu.memref_slice %arg10[%dma_start3A_103, %dma_start3A_104] : memref<5128x128xf32, #tpu.memory_space<vmem_shared>> -> memref<5128x128xf32, #tpu.memory_space<vmem_shared>>
        tpu.enqueue_indirect_dma source(%arg7 : memref<128x128xf32, #tpu.memory_space<vmem>>) target(%dma_start3A_105 : memref<5128x128xf32, #tpu.memory_space<vmem_shared>>) offsets(%dma_start3A_102 : memref<128xi32, #tpu.memory_space<vmem>>) semaphore(%run_scoped3A : memref<!tpu.dma_semaphore, #tpu.memory_space<semaphore_mem>>) {add = true}
        %dma_wait3A_106 = arith.constant 0 : i32
        %dma_wait3A_107 = tpu.memref_slice %arg6[%mul3A_72, %dma_wait3A_106] : memref<160x128xi32, #tpu.memory_space<vmem>> -> memref<1x128xi32, #tpu.memory_space<vmem>>
        %dma_wait3A_108 = tpu.memref_squeeze %dma_wait3A_107 : memref<1x128xi32, #tpu.memory_space<vmem>> -> memref<128xi32, #tpu.memory_space<vmem>>
        %dma_wait3A_109 = arith.constant 0 : i32
        %dma_wait3A_110 = arith.constant 0 : i32
        %dma_wait3A_111 = tpu.memref_slice %arg10[%dma_wait3A_109, %dma_wait3A_110] : memref<5128x128xf32, #tpu.memory_space<vmem_shared>> -> memref<5128x128xf32, #tpu.memory_space<vmem_shared>>
        tpu.wait_indirect_dma semaphore(%run_scoped3A : memref<!tpu.dma_semaphore, #tpu.memory_space<semaphore_mem>>) src(%arg7 : memref<128x128xf32, #tpu.memory_space<vmem>>) dst(%dma_wait3A_111 : memref<5128x128xf32, #tpu.memory_space<vmem_shared>>)
        tpu.yield
      }) : () -> ()
      %add3A_86 = arith.constant 2 : i32
      %add3A_87 = arith.addi %mul3A_72, %add3A_86 : i32
      %lt3A = arith.constant 160 : i32
      %lt3A_88 = arith.cmpi slt, %add3A_87, %lt3A : i32
      %convert_element_type3A = arith.extui %lt3A_88 : i1 to i32
      %cond3A = arith.constant 0 : i32
      %cond3A_89 = arith.cmpi ne, %convert_element_type3A, %cond3A : i32
      scf.if %cond3A_89 {
        %add3A_100 = arith.constant 2 : i32
        %add3A_101 = arith.addi %mul3A_72, %add3A_100 : i32
        %dma_start3A_102 = arith.constant 0 : i32
        %dma_start3A_103 = tpu.memref_slice %arg5[%add3A_101, %dma_start3A_102] : memref<160x128xi32, #tpu.memory_space<vmem>> -> memref<1x128xi32, #tpu.memory_space<vmem>>
        %dma_start3A_104 = tpu.memref_squeeze %dma_start3A_103 : memref<1x128xi32, #tpu.memory_space<vmem>> -> memref<128xi32, #tpu.memory_space<vmem>>
        %dma_start3A_105 = arith.constant 0 : i32
        %dma_start3A_106 = arith.constant 0 : i32
        %dma_start3A_107 = tpu.memref_slice %arg2[%dma_start3A_105, %dma_start3A_106] : memref<10240x128xf32, #tpu.memory_space<hbm>> -> memref<10240x128xf32, #tpu.memory_space<hbm>>
        tpu.enqueue_indirect_dma source(%dma_start3A_107 : memref<10240x128xf32, #tpu.memory_space<hbm>>) target(%arg7 : memref<128x128xf32, #tpu.memory_space<vmem>>) offsets(%dma_start3A_104 : memref<128xi32, #tpu.memory_space<vmem>>) semaphore(%arg11 : memref<!tpu.dma_semaphore, #tpu.memory_space<semaphore_mem>>)
      } else {
      }
      %add3A_90 = arith.constant 1 : i32
      %add3A_91 = arith.addi %mul3A_72, %add3A_90 : i32
      %dma_wait3A_92 = arith.constant 0 : i32
      %dma_wait3A_93 = tpu.memref_slice %arg5[%add3A_91, %dma_wait3A_92] : memref<160x128xi32, #tpu.memory_space<vmem>> -> memref<1x128xi32, #tpu.memory_space<vmem>>
      %dma_wait3A_94 = tpu.memref_squeeze %dma_wait3A_93 : memref<1x128xi32, #tpu.memory_space<vmem>> -> memref<128xi32, #tpu.memory_space<vmem>>
      %dma_wait3A_95 = arith.constant 0 : i32
      %dma_wait3A_96 = arith.constant 0 : i32
      %dma_wait3A_97 = tpu.memref_slice %arg2[%dma_wait3A_95, %dma_wait3A_96] : memref<10240x128xf32, #tpu.memory_space<hbm>> -> memref<10240x128xf32, #tpu.memory_space<hbm>>
      tpu.wait_indirect_dma semaphore(%arg11 : memref<!tpu.dma_semaphore, #tpu.memory_space<semaphore_mem>>) src(%dma_wait3A_97 : memref<10240x128xf32, #tpu.memory_space<hbm>>) dst(%arg8 : memref<128x128xf32, #tpu.memory_space<vmem>>)
      %add3A_98 = arith.constant 1 : i32
      %add3A_99 = arith.addi %mul3A_72, %add3A_98 : i32
      "tpu.region"() ({
        %run_scoped3A = tpu.sem_alloc : memref<!tpu.dma_semaphore, #tpu.memory_space<semaphore_mem>>
        %dma_start3A_100 = arith.constant 0 : i32
        %dma_start3A_101 = tpu.memref_slice %arg6[%add3A_99, %dma_start3A_100] : memref<160x128xi32, #tpu.memory_space<vmem>> -> memref<1x128xi32, #tpu.memory_space<vmem>>
        %dma_start3A_102 = tpu.memref_squeeze %dma_start3A_101 : memref<1x128xi32, #tpu.memory_space<vmem>> -> memref<128xi32, #tpu.memory_space<vmem>>
        %dma_start3A_103 = arith.constant 0 : i32
        %dma_start3A_104 = arith.constant 0 : i32
        %dma_start3A_105 = tpu.memref_slice %arg10[%dma_start3A_103, %dma_start3A_104] : memref<5128x128xf32, #tpu.memory_space<vmem_shared>> -> memref<5128x128xf32, #tpu.memory_space<vmem_shared>>
        tpu.enqueue_indirect_dma source(%arg8 : memref<128x128xf32, #tpu.memory_space<vmem>>) target(%dma_start3A_105 : memref<5128x128xf32, #tpu.memory_space<vmem_shared>>) offsets(%dma_start3A_102 : memref<128xi32, #tpu.memory_space<vmem>>) semaphore(%run_scoped3A : memref<!tpu.dma_semaphore, #tpu.memory_space<semaphore_mem>>) {add = true}
        %dma_wait3A_106 = arith.constant 0 : i32
        %dma_wait3A_107 = tpu.memref_slice %arg6[%add3A_99, %dma_wait3A_106] : memref<160x128xi32, #tpu.memory_space<vmem>> -> memref<1x128xi32, #tpu.memory_space<vmem>>
        %dma_wait3A_108 = tpu.memref_squeeze %dma_wait3A_107 : memref<1x128xi32, #tpu.memory_space<vmem>> -> memref<128xi32, #tpu.memory_space<vmem>>
        %dma_wait3A_109 = arith.constant 0 : i32
        %dma_wait3A_110 = arith.constant 0 : i32
        %dma_wait3A_111 = tpu.memref_slice %arg10[%dma_wait3A_109, %dma_wait3A_110] : memref<5128x128xf32, #tpu.memory_space<vmem_shared>> -> memref<5128x128xf32, #tpu.memory_space<vmem_shared>>
        tpu.wait_indirect_dma semaphore(%run_scoped3A : memref<!tpu.dma_semaphore, #tpu.memory_space<semaphore_mem>>) src(%arg8 : memref<128x128xf32, #tpu.memory_space<vmem>>) dst(%dma_wait3A_111 : memref<5128x128xf32, #tpu.memory_space<vmem_shared>>)
        tpu.yield
      }) : () -> ()
    }
    %scan3A_43 = arith.constant 80 : i32
    %barrier3A_44 = arith.constant 0 : index
    tpu.barrier barrier_id(%barrier3A_44)
    %add3A_45 = arith.constant 0 : i32
    %add3A_46 = arith.addi %mul3A_22, %add3A_45 : i32
    "tpu.region"() ({
      %run_scoped3A = tpu.sem_alloc : memref<!tpu.dma_semaphore, #tpu.memory_space<semaphore_mem>>
      %dma_start3A_70 = arith.constant 0 : i32
      %dma_start3A_71 = tpu.memref_slice %arg10[%add3A_46, %dma_start3A_70] : memref<5128x128xf32, #tpu.memory_space<vmem_shared>> -> memref<64x128xf32, #tpu.memory_space<vmem_shared>>
      %dma_start3A_72 = arith.constant 0 : i32
      %dma_start3A_73 = tpu.memref_slice %arg10[%add3A_46, %dma_start3A_72] : memref<5128x128xf32, #tpu.memory_space<vmem_shared>> -> memref<64x128xf32, #tpu.memory_space<vmem_shared>>
      tpu.enqueue_dma source(%dma_start3A_73 : memref<64x128xf32, #tpu.memory_space<vmem_shared>>) target(%arg9 : memref<64x128xf32, #tpu.memory_space<vmem>>) target_semaphore(%run_scoped3A : memref<!tpu.dma_semaphore, #tpu.memory_space<semaphore_mem>>)
      %dma_wait3A = arith.constant 0 : i32
      %dma_wait3A_74 = tpu.memref_slice %arg10[%add3A_46, %dma_wait3A] : memref<5128x128xf32, #tpu.memory_space<vmem_shared>> -> memref<64x128xf32, #tpu.memory_space<vmem_shared>>
      %dma_wait3A_75 = arith.constant 0 : i32
      %dma_wait3A_76 = tpu.memref_slice %arg10[%add3A_46, %dma_wait3A_75] : memref<5128x128xf32, #tpu.memory_space<vmem_shared>> -> memref<64x128xf32, #tpu.memory_space<vmem_shared>>
      tpu.wait_dma2 semaphore(%run_scoped3A : memref<!tpu.dma_semaphore, #tpu.memory_space<semaphore_mem>>) src(%dma_wait3A_76 : memref<64x128xf32, #tpu.memory_space<vmem_shared>>) dst(%arg9 : memref<64x128xf32, #tpu.memory_space<vmem>>)
      tpu.yield
    }) : () -> ()
    %mul3A_47 = arith.constant 5120 : i32
    %mul3A_48 = arith.muli %arg0, %mul3A_47 : i32
    %add3A_49 = arith.addi %mul3A_48, %add3A_46 : i32
    "tpu.region"() ({
      %run_scoped3A = tpu.sem_alloc : memref<!tpu.dma_semaphore, #tpu.memory_space<semaphore_mem>>
      %dma_start3A_70 = arith.constant 0 : i32
      %dma_start3A_71 = tpu.memref_slice %arg4[%add3A_49, %dma_start3A_70] : memref<10240x128xf32, #tpu.memory_space<hbm>> -> memref<64x128xf32, #tpu.memory_space<hbm>>
      %dma_start3A_72 = arith.constant 0 : i32
      %dma_start3A_73 = tpu.memref_slice %arg4[%add3A_49, %dma_start3A_72] : memref<10240x128xf32, #tpu.memory_space<hbm>> -> memref<64x128xf32, #tpu.memory_space<hbm>>
      tpu.enqueue_dma source(%arg9 : memref<64x128xf32, #tpu.memory_space<vmem>>) target(%dma_start3A_73 : memref<64x128xf32, #tpu.memory_space<hbm>>) target_semaphore(%run_scoped3A : memref<!tpu.dma_semaphore, #tpu.memory_space<semaphore_mem>>)
      %dma_wait3A = arith.constant 0 : i32
      %dma_wait3A_74 = tpu.memref_slice %arg4[%add3A_49, %dma_wait3A] : memref<10240x128xf32, #tpu.memory_space<hbm>> -> memref<64x128xf32, #tpu.memory_space<hbm>>
      %dma_wait3A_75 = arith.constant 0 : i32
      %dma_wait3A_76 = tpu.memref_slice %arg4[%add3A_49, %dma_wait3A_75] : memref<10240x128xf32, #tpu.memory_space<hbm>> -> memref<64x128xf32, #tpu.memory_space<hbm>>
      tpu.wait_dma2 semaphore(%run_scoped3A : memref<!tpu.dma_semaphore, #tpu.memory_space<semaphore_mem>>) src(%arg9 : memref<64x128xf32, #tpu.memory_space<vmem>>) dst(%dma_wait3A_76 : memref<64x128xf32, #tpu.memory_space<hbm>>)
      tpu.yield
    }) : () -> ()
    %add3A_50 = arith.constant 64 : i32
    %add3A_51 = arith.addi %mul3A_22, %add3A_50 : i32
    "tpu.region"() ({
      %run_scoped3A = tpu.sem_alloc : memref<!tpu.dma_semaphore, #tpu.memory_space<semaphore_mem>>
      %dma_start3A_70 = arith.constant 0 : i32
      %dma_start3A_71 = tpu.memref_slice %arg10[%add3A_51, %dma_start3A_70] : memref<5128x128xf32, #tpu.memory_space<vmem_shared>> -> memref<64x128xf32, #tpu.memory_space<vmem_shared>>
      %dma_start3A_72 = arith.constant 0 : i32
      %dma_start3A_73 = tpu.memref_slice %arg10[%add3A_51, %dma_start3A_72] : memref<5128x128xf32, #tpu.memory_space<vmem_shared>> -> memref<64x128xf32, #tpu.memory_space<vmem_shared>>
      tpu.enqueue_dma source(%dma_start3A_73 : memref<64x128xf32, #tpu.memory_space<vmem_shared>>) target(%arg9 : memref<64x128xf32, #tpu.memory_space<vmem>>) target_semaphore(%run_scoped3A : memref<!tpu.dma_semaphore, #tpu.memory_space<semaphore_mem>>)
      %dma_wait3A = arith.constant 0 : i32
      %dma_wait3A_74 = tpu.memref_slice %arg10[%add3A_51, %dma_wait3A] : memref<5128x128xf32, #tpu.memory_space<vmem_shared>> -> memref<64x128xf32, #tpu.memory_space<vmem_shared>>
      %dma_wait3A_75 = arith.constant 0 : i32
      %dma_wait3A_76 = tpu.memref_slice %arg10[%add3A_51, %dma_wait3A_75] : memref<5128x128xf32, #tpu.memory_space<vmem_shared>> -> memref<64x128xf32, #tpu.memory_space<vmem_shared>>
      tpu.wait_dma2 semaphore(%run_scoped3A : memref<!tpu.dma_semaphore, #tpu.memory_space<semaphore_mem>>) src(%dma_wait3A_76 : memref<64x128xf32, #tpu.memory_space<vmem_shared>>) dst(%arg9 : memref<64x128xf32, #tpu.memory_space<vmem>>)
      tpu.yield
    }) : () -> ()
    %mul3A_52 = arith.constant 5120 : i32
    %mul3A_53 = arith.muli %arg0, %mul3A_52 : i32
    %add3A_54 = arith.addi %mul3A_53, %add3A_51 : i32
    "tpu.region"() ({
      %run_scoped3A = tpu.sem_alloc : memref<!tpu.dma_semaphore, #tpu.memory_space<semaphore_mem>>
      %dma_start3A_70 = arith.constant 0 : i32
      %dma_start3A_71 = tpu.memref_slice %arg4[%add3A_54, %dma_start3A_70] : memref<10240x128xf32, #tpu.memory_space<hbm>> -> memref<64x128xf32, #tpu.memory_space<hbm>>
      %dma_start3A_72 = arith.constant 0 : i32
      %dma_start3A_73 = tpu.memref_slice %arg4[%add3A_54, %dma_start3A_72] : memref<10240x128xf32, #tpu.memory_space<hbm>> -> memref<64x128xf32, #tpu.memory_space<hbm>>
      tpu.enqueue_dma source(%arg9 : memref<64x128xf32, #tpu.memory_space<vmem>>) target(%dma_start3A_73 : memref<64x128xf32, #tpu.memory_space<hbm>>) target_semaphore(%run_scoped3A : memref<!tpu.dma_semaphore, #tpu.memory_space<semaphore_mem>>)
      %dma_wait3A = arith.constant 0 : i32
      %dma_wait3A_74 = tpu.memref_slice %arg4[%add3A_54, %dma_wait3A] : memref<10240x128xf32, #tpu.memory_space<hbm>> -> memref<64x128xf32, #tpu.memory_space<hbm>>
      %dma_wait3A_75 = arith.constant 0 : i32
      %dma_wait3A_76 = tpu.memref_slice %arg4[%add3A_54, %dma_wait3A_75] : memref<10240x128xf32, #tpu.memory_space<hbm>> -> memref<64x128xf32, #tpu.memory_space<hbm>>
      tpu.wait_dma2 semaphore(%run_scoped3A : memref<!tpu.dma_semaphore, #tpu.memory_space<semaphore_mem>>) src(%arg9 : memref<64x128xf32, #tpu.memory_space<vmem>>) dst(%dma_wait3A_76 : memref<64x128xf32, #tpu.memory_space<hbm>>)
      tpu.yield
    }) : () -> ()
    %add3A_55 = arith.constant 128 : i32
    %add3A_56 = arith.addi %mul3A_22, %add3A_55 : i32
    "tpu.region"() ({
      %run_scoped3A = tpu.sem_alloc : memref<!tpu.dma_semaphore, #tpu.memory_space<semaphore_mem>>
      %dma_start3A_70 = arith.constant 0 : i32
      %dma_start3A_71 = tpu.memref_slice %arg10[%add3A_56, %dma_start3A_70] : memref<5128x128xf32, #tpu.memory_space<vmem_shared>> -> memref<64x128xf32, #tpu.memory_space<vmem_shared>>
      %dma_start3A_72 = arith.constant 0 : i32
      %dma_start3A_73 = tpu.memref_slice %arg10[%add3A_56, %dma_start3A_72] : memref<5128x128xf32, #tpu.memory_space<vmem_shared>> -> memref<64x128xf32, #tpu.memory_space<vmem_shared>>
      tpu.enqueue_dma source(%dma_start3A_73 : memref<64x128xf32, #tpu.memory_space<vmem_shared>>) target(%arg9 : memref<64x128xf32, #tpu.memory_space<vmem>>) target_semaphore(%run_scoped3A : memref<!tpu.dma_semaphore, #tpu.memory_space<semaphore_mem>>)
      %dma_wait3A = arith.constant 0 : i32
      %dma_wait3A_74 = tpu.memref_slice %arg10[%add3A_56, %dma_wait3A] : memref<5128x128xf32, #tpu.memory_space<vmem_shared>> -> memref<64x128xf32, #tpu.memory_space<vmem_shared>>
      %dma_wait3A_75 = arith.constant 0 : i32
      %dma_wait3A_76 = tpu.memref_slice %arg10[%add3A_56, %dma_wait3A_75] : memref<5128x128xf32, #tpu.memory_space<vmem_shared>> -> memref<64x128xf32, #tpu.memory_space<vmem_shared>>
      tpu.wait_dma2 semaphore(%run_scoped3A : memref<!tpu.dma_semaphore, #tpu.memory_space<semaphore_mem>>) src(%dma_wait3A_76 : memref<64x128xf32, #tpu.memory_space<vmem_shared>>) dst(%arg9 : memref<64x128xf32, #tpu.memory_space<vmem>>)
      tpu.yield
    }) : () -> ()
    %mul3A_57 = arith.constant 5120 : i32
    %mul3A_58 = arith.muli %arg0, %mul3A_57 : i32
    %add3A_59 = arith.addi %mul3A_58, %add3A_56 : i32
    "tpu.region"() ({
      %run_scoped3A = tpu.sem_alloc : memref<!tpu.dma_semaphore, #tpu.memory_space<semaphore_mem>>
      %dma_start3A_70 = arith.constant 0 : i32
      %dma_start3A_71 = tpu.memref_slice %arg4[%add3A_59, %dma_start3A_70] : memref<10240x128xf32, #tpu.memory_space<hbm>> -> memref<64x128xf32, #tpu.memory_space<hbm>>
      %dma_start3A_72 = arith.constant 0 : i32
      %dma_start3A_73 = tpu.memref_slice %arg4[%add3A_59, %dma_start3A_72] : memref<10240x128xf32, #tpu.memory_space<hbm>> -> memref<64x128xf32, #tpu.memory_space<hbm>>
      tpu.enqueue_dma source(%arg9 : memref<64x128xf32, #tpu.memory_space<vmem>>) target(%dma_start3A_73 : memref<64x128xf32, #tpu.memory_space<hbm>>) target_semaphore(%run_scoped3A : memref<!tpu.dma_semaphore, #tpu.memory_space<semaphore_mem>>)
      %dma_wait3A = arith.constant 0 : i32
      %dma_wait3A_74 = tpu.memref_slice %arg4[%add3A_59, %dma_wait3A] : memref<10240x128xf32, #tpu.memory_space<hbm>> -> memref<64x128xf32, #tpu.memory_space<hbm>>
      %dma_wait3A_75 = arith.constant 0 : i32
      %dma_wait3A_76 = tpu.memref_slice %arg4[%add3A_59, %dma_wait3A_75] : memref<10240x128xf32, #tpu.memory_space<hbm>> -> memref<64x128xf32, #tpu.memory_space<hbm>>
      tpu.wait_dma2 semaphore(%run_scoped3A : memref<!tpu.dma_semaphore, #tpu.memory_space<semaphore_mem>>) src(%arg9 : memref<64x128xf32, #tpu.memory_space<vmem>>) dst(%dma_wait3A_76 : memref<64x128xf32, #tpu.memory_space<hbm>>)
      tpu.yield
    }) : () -> ()
    %add3A_60 = arith.constant 192 : i32
    %add3A_61 = arith.addi %mul3A_22, %add3A_60 : i32
    "tpu.region"() ({
      %run_scoped3A = tpu.sem_alloc : memref<!tpu.dma_semaphore, #tpu.memory_space<semaphore_mem>>
      %dma_start3A_70 = arith.constant 0 : i32
      %dma_start3A_71 = tpu.memref_slice %arg10[%add3A_61, %dma_start3A_70] : memref<5128x128xf32, #tpu.memory_space<vmem_shared>> -> memref<64x128xf32, #tpu.memory_space<vmem_shared>>
      %dma_start3A_72 = arith.constant 0 : i32
      %dma_start3A_73 = tpu.memref_slice %arg10[%add3A_61, %dma_start3A_72] : memref<5128x128xf32, #tpu.memory_space<vmem_shared>> -> memref<64x128xf32, #tpu.memory_space<vmem_shared>>
      tpu.enqueue_dma source(%dma_start3A_73 : memref<64x128xf32, #tpu.memory_space<vmem_shared>>) target(%arg9 : memref<64x128xf32, #tpu.memory_space<vmem>>) target_semaphore(%run_scoped3A : memref<!tpu.dma_semaphore, #tpu.memory_space<semaphore_mem>>)
      %dma_wait3A = arith.constant 0 : i32
      %dma_wait3A_74 = tpu.memref_slice %arg10[%add3A_61, %dma_wait3A] : memref<5128x128xf32, #tpu.memory_space<vmem_shared>> -> memref<64x128xf32, #tpu.memory_space<vmem_shared>>
      %dma_wait3A_75 = arith.constant 0 : i32
      %dma_wait3A_76 = tpu.memref_slice %arg10[%add3A_61, %dma_wait3A_75] : memref<5128x128xf32, #tpu.memory_space<vmem_shared>> -> memref<64x128xf32, #tpu.memory_space<vmem_shared>>
      tpu.wait_dma2 semaphore(%run_scoped3A : memref<!tpu.dma_semaphore, #tpu.memory_space<semaphore_mem>>) src(%dma_wait3A_76 : memref<64x128xf32, #tpu.memory_space<vmem_shared>>) dst(%arg9 : memref<64x128xf32, #tpu.memory_space<vmem>>)
      tpu.yield
    }) : () -> ()
    %mul3A_62 = arith.constant 5120 : i32
    %mul3A_63 = arith.muli %arg0, %mul3A_62 : i32
    %add3A_64 = arith.addi %mul3A_63, %add3A_61 : i32
    "tpu.region"() ({
      %run_scoped3A = tpu.sem_alloc : memref<!tpu.dma_semaphore, #tpu.memory_space<semaphore_mem>>
      %dma_start3A_70 = arith.constant 0 : i32
      %dma_start3A_71 = tpu.memref_slice %arg4[%add3A_64, %dma_start3A_70] : memref<10240x128xf32, #tpu.memory_space<hbm>> -> memref<64x128xf32, #tpu.memory_space<hbm>>
      %dma_start3A_72 = arith.constant 0 : i32
      %dma_start3A_73 = tpu.memref_slice %arg4[%add3A_64, %dma_start3A_72] : memref<10240x128xf32, #tpu.memory_space<hbm>> -> memref<64x128xf32, #tpu.memory_space<hbm>>
      tpu.enqueue_dma source(%arg9 : memref<64x128xf32, #tpu.memory_space<vmem>>) target(%dma_start3A_73 : memref<64x128xf32, #tpu.memory_space<hbm>>) target_semaphore(%run_scoped3A : memref<!tpu.dma_semaphore, #tpu.memory_space<semaphore_mem>>)
      %dma_wait3A = arith.constant 0 : i32
      %dma_wait3A_74 = tpu.memref_slice %arg4[%add3A_64, %dma_wait3A] : memref<10240x128xf32, #tpu.memory_space<hbm>> -> memref<64x128xf32, #tpu.memory_space<hbm>>
      %dma_wait3A_75 = arith.constant 0 : i32
      %dma_wait3A_76 = tpu.memref_slice %arg4[%add3A_64, %dma_wait3A_75] : memref<10240x128xf32, #tpu.memory_space<hbm>> -> memref<64x128xf32, #tpu.memory_space<hbm>>
      tpu.wait_dma2 semaphore(%run_scoped3A : memref<!tpu.dma_semaphore, #tpu.memory_space<semaphore_mem>>) src(%arg9 : memref<64x128xf32, #tpu.memory_space<vmem>>) dst(%dma_wait3A_76 : memref<64x128xf32, #tpu.memory_space<hbm>>)
      tpu.yield
    }) : () -> ()
    %add3A_65 = arith.constant 256 : i32
    %add3A_66 = arith.addi %mul3A_22, %add3A_65 : i32
    "tpu.region"() ({
      %run_scoped3A = tpu.sem_alloc : memref<!tpu.dma_semaphore, #tpu.memory_space<semaphore_mem>>
      %dma_start3A_70 = arith.constant 0 : i32
      %dma_start3A_71 = tpu.memref_slice %arg10[%add3A_66, %dma_start3A_70] : memref<5128x128xf32, #tpu.memory_space<vmem_shared>> -> memref<64x128xf32, #tpu.memory_space<vmem_shared>>
      %dma_start3A_72 = arith.constant 0 : i32
      %dma_start3A_73 = tpu.memref_slice %arg10[%add3A_66, %dma_start3A_72] : memref<5128x128xf32, #tpu.memory_space<vmem_shared>> -> memref<64x128xf32, #tpu.memory_space<vmem_shared>>
      tpu.enqueue_dma source(%dma_start3A_73 : memref<64x128xf32, #tpu.memory_space<vmem_shared>>) target(%arg9 : memref<64x128xf32, #tpu.memory_space<vmem>>) target_semaphore(%run_scoped3A : memref<!tpu.dma_semaphore, #tpu.memory_space<semaphore_mem>>)
      %dma_wait3A = arith.constant 0 : i32
      %dma_wait3A_74 = tpu.memref_slice %arg10[%add3A_66, %dma_wait3A] : memref<5128x128xf32, #tpu.memory_space<vmem_shared>> -> memref<64x128xf32, #tpu.memory_space<vmem_shared>>
      %dma_wait3A_75 = arith.constant 0 : i32
      %dma_wait3A_76 = tpu.memref_slice %arg10[%add3A_66, %dma_wait3A_75] : memref<5128x128xf32, #tpu.memory_space<vmem_shared>> -> memref<64x128xf32, #tpu.memory_space<vmem_shared>>
      tpu.wait_dma2 semaphore(%run_scoped3A : memref<!tpu.dma_semaphore, #tpu.memory_space<semaphore_mem>>) src(%dma_wait3A_76 : memref<64x128xf32, #tpu.memory_space<vmem_shared>>) dst(%arg9 : memref<64x128xf32, #tpu.memory_space<vmem>>)
      tpu.yield
    }) : () -> ()
    %mul3A_67 = arith.constant 5120 : i32
    %mul3A_68 = arith.muli %arg0, %mul3A_67 : i32
    %add3A_69 = arith.addi %mul3A_68, %add3A_66 : i32
    "tpu.region"() ({
      %run_scoped3A = tpu.sem_alloc : memref<!tpu.dma_semaphore, #tpu.memory_space<semaphore_mem>>
      %dma_start3A_70 = arith.constant 0 : i32
      %dma_start3A_71 = tpu.memref_slice %arg4[%add3A_69, %dma_start3A_70] : memref<10240x128xf32, #tpu.memory_space<hbm>> -> memref<64x128xf32, #tpu.memory_space<hbm>>
      %dma_start3A_72 = arith.constant 0 : i32
      %dma_start3A_73 = tpu.memref_slice %arg4[%add3A_69, %dma_start3A_72] : memref<10240x128xf32, #tpu.memory_space<hbm>> -> memref<64x128xf32, #tpu.memory_space<hbm>>
      tpu.enqueue_dma source(%arg9 : memref<64x128xf32, #tpu.memory_space<vmem>>) target(%dma_start3A_73 : memref<64x128xf32, #tpu.memory_space<hbm>>) target_semaphore(%run_scoped3A : memref<!tpu.dma_semaphore, #tpu.memory_space<semaphore_mem>>)
      %dma_wait3A = arith.constant 0 : i32
      %dma_wait3A_74 = tpu.memref_slice %arg4[%add3A_69, %dma_wait3A] : memref<10240x128xf32, #tpu.memory_space<hbm>> -> memref<64x128xf32, #tpu.memory_space<hbm>>
      %dma_wait3A_75 = arith.constant 0 : i32
      %dma_wait3A_76 = tpu.memref_slice %arg4[%add3A_69, %dma_wait3A_75] : memref<10240x128xf32, #tpu.memory_space<hbm>> -> memref<64x128xf32, #tpu.memory_space<hbm>>
      tpu.wait_dma2 semaphore(%run_scoped3A : memref<!tpu.dma_semaphore, #tpu.memory_space<semaphore_mem>>) src(%arg9 : memref<64x128xf32, #tpu.memory_space<vmem>>) dst(%dma_wait3A_76 : memref<64x128xf32, #tpu.memory_space<hbm>>)
      tpu.yield
    }) : () -> ()
    return
  }
}

#map = affine_map<(d0, d1) -> (0, 0)>
#map1 = affine_map<(d0, d1) -> (0)>
module attributes {stable_mosaic.version = 14 : i64} {
  func.func @_deg_hist(%arg0: i32, %arg1: i32, %arg2: memref<2560x128xi32, #tpu.memory_space<hbm>>, %arg3: memref<20480xf32, #tpu.memory_space<hbm>>, %arg4: memref<80x128xi32, #tpu.memory_space<vmem>>, %arg5: memref<80x128xi32, #tpu.memory_space<vmem>>, %arg6: memref<128xf32, #tpu.memory_space<vmem>>, %arg7: memref<640xf32, #tpu.memory_space<vmem>>, %arg8: memref<10240xf32, #tpu.memory_space<vmem_shared>>) attributes {dimension_semantics = [#tpu.dimension_semantics<core_parallel>, #tpu.dimension_semantics<subcore_parallel>], iteration_bounds = array<i64: 2, 16>, scalar_prefetch = 0 : i64, scratch_operands = 5 : i64, tpu.core_type = #tpu.core_type<sc_vector_subcore>, window_params = [{transform_indices = #map}, {transform_indices = #map1}]} {
    %mul3A = arith.constant 2 : i32
    %mul3A_0 = arith.muli %arg1, %mul3A : i32
    %add3A = arith.addi %mul3A_0, %arg0 : i32
    %mul3A_1 = arith.constant 80 : i32
    %mul3A_2 = arith.muli %add3A, %mul3A_1 : i32
    "tpu.region"() ({
      %run_scoped3A = tpu.sem_alloc : memref<!tpu.dma_semaphore, #tpu.memory_space<semaphore_mem>>
      %dma_start3A = arith.constant 0 : i32
      %dma_start3A_62 = tpu.memref_slice %arg2[%mul3A_2, %dma_start3A] : memref<2560x128xi32, #tpu.memory_space<hbm>> -> memref<80x128xi32, #tpu.memory_space<hbm>>
      %dma_start3A_63 = arith.constant 0 : i32
      %dma_start3A_64 = tpu.memref_slice %arg2[%mul3A_2, %dma_start3A_63] : memref<2560x128xi32, #tpu.memory_space<hbm>> -> memref<80x128xi32, #tpu.memory_space<hbm>>
      tpu.enqueue_dma source(%dma_start3A_64 : memref<80x128xi32, #tpu.memory_space<hbm>>) target(%arg4 : memref<80x128xi32, #tpu.memory_space<vmem>>) target_semaphore(%run_scoped3A : memref<!tpu.dma_semaphore, #tpu.memory_space<semaphore_mem>>)
      %dma_wait3A = arith.constant 0 : i32
      %dma_wait3A_65 = tpu.memref_slice %arg2[%mul3A_2, %dma_wait3A] : memref<2560x128xi32, #tpu.memory_space<hbm>> -> memref<80x128xi32, #tpu.memory_space<hbm>>
      %dma_wait3A_66 = arith.constant 0 : i32
      %dma_wait3A_67 = tpu.memref_slice %arg2[%mul3A_2, %dma_wait3A_66] : memref<2560x128xi32, #tpu.memory_space<hbm>> -> memref<80x128xi32, #tpu.memory_space<hbm>>
      tpu.wait_dma2 semaphore(%run_scoped3A : memref<!tpu.dma_semaphore, #tpu.memory_space<semaphore_mem>>) src(%dma_wait3A_67 : memref<80x128xi32, #tpu.memory_space<hbm>>) dst(%arg4 : memref<80x128xi32, #tpu.memory_space<vmem>>)
      tpu.yield
    }) : () -> ()
    %broadcast_in_dim3A = arith.constant 16383 : i32
    %broadcast_in_dim3A_3 = vector.broadcast %broadcast_in_dim3A : i32 to vector<16xi32>
    %scan3A = arith.constant 0 : i32
    %scan3A_4 = arith.constant 0 : i32
    %scan3A_5 = arith.constant 640 : i32
    %scan3A_6 = arith.addi %scan3A_4, %scan3A_5 : i32
    %scan3A_7 = arith.constant 1 : i32
    scf.for %scan3A_62 = %scan3A_4 to %scan3A_6 step %scan3A_7  : i32 {
      %jit3A = arith.constant 8 : i32
      %div3A = arith.divsi %scan3A_62, %jit3A : i32
      %sign3A = arith.constant 0 : i32
      %sign3A_63 = arith.cmpi sgt, %scan3A_62, %sign3A : i32
      %sign3A_64 = arith.extui %sign3A_63 : i1 to i32
      %sign3A_65 = arith.constant 0 : i32
      %sign3A_66 = arith.cmpi slt, %scan3A_62, %sign3A_65 : i32
      %sign3A_67 = arith.extui %sign3A_66 : i1 to i32
      %sign3A_68 = arith.subi %sign3A_64, %sign3A_67 : i32
      %sign3A_69 = arith.constant 0 : i32
      %sign3A_70 = arith.cmpi sgt, %jit3A, %sign3A_69 : i32
      %sign3A_71 = arith.extui %sign3A_70 : i1 to i32
      %sign3A_72 = arith.constant 0 : i32
      %sign3A_73 = arith.cmpi slt, %jit3A, %sign3A_72 : i32
      %sign3A_74 = arith.extui %sign3A_73 : i1 to i32
      %sign3A_75 = arith.subi %sign3A_71, %sign3A_74 : i32
      %ne3A = arith.cmpi ne, %sign3A_68, %sign3A_75 : i32
      %rem3A = arith.remsi %scan3A_62, %jit3A : i32
      %ne3A_76 = arith.constant 0 : i32
      %ne3A_77 = arith.cmpi ne, %rem3A, %ne3A_76 : i32
      %and3A = arith.andi %ne3A, %ne3A_77 : i1
      %sub3A = arith.constant 1 : i32
      %sub3A_78 = arith.subi %div3A, %sub3A : i32
      %select_n3A = arith.select %and3A, %sub3A_78, %div3A : i32
      %jit3A_79 = arith.constant 8 : i32
      %eq3A = arith.constant 0 : i32
      %eq3A_80 = arith.cmpi eq, %jit3A_79, %eq3A : i32
      %jit3A_81 = arith.constant 1 : i32
      %select_n3A_82 = arith.select %eq3A_80, %jit3A_81, %jit3A_79 : i32
      %rem3A_83 = arith.remsi %scan3A_62, %select_n3A_82 : i32
      %ne3A_84 = arith.constant 0 : i32
      %ne3A_85 = arith.cmpi ne, %rem3A_83, %ne3A_84 : i32
      %lt3A = arith.constant 0 : i32
      %lt3A_86 = arith.cmpi slt, %rem3A_83, %lt3A : i32
      %lt3A_87 = arith.constant 0 : i32
      %lt3A_88 = arith.cmpi slt, %select_n3A_82, %lt3A_87 : i32
      %ne3A_89 = arith.xori %lt3A_86, %lt3A_88 : i1
      %and3A_90 = arith.andi %ne3A_89, %ne3A_85 : i1
      %add3A_91 = arith.addi %rem3A_83, %select_n3A_82 : i32
      %select_n3A_92 = arith.select %and3A_90, %add3A_91, %rem3A_83 : i32
      %mul3A_93 = arith.constant 16 : i32
      %mul3A_94 = arith.muli %select_n3A_92, %mul3A_93 : i32
      %get3A = arith.index_cast %select_n3A : i32 to index
      %get3A_95 = arith.index_cast %mul3A_94 : i32 to index
      %get3A_96 = tpu.vector_load %arg4[%get3A, %get3A_95] {strides = array<i32>} : memref<80x128xi32, #tpu.memory_space<vmem>>, vector<1x16xi32>,
      %get3A_97 = vector.shape_cast %get3A_96 : vector<1x16xi32> to vector<16xi32>
      %and3A_98 = arith.andi %get3A_97, %broadcast_in_dim3A_3 : vector<16xi32>
      %swap3A_99 = arith.index_cast %select_n3A : i32 to index
      %swap3A_100 = arith.index_cast %mul3A_94 : i32 to index
      %swap3A_101 = tpu.vector_load %arg5[%swap3A_99, %swap3A_100] {strides = array<i32>} : memref<80x128xi32, #tpu.memory_space<vmem>>, vector<1x16xi32>,
      %swap3A_102 = vector.shape_cast %swap3A_101 : vector<1x16xi32> to vector<16xi32>
      %swap3A_103 = vector.shape_cast %and3A_98 : vector<16xi32> to vector<1x16xi32>
      tpu.vector_store %arg5[%swap3A_99, %swap3A_100], %swap3A_103 {strides = array<i32>} : memref<80x128xi32, #tpu.memory_space<vmem>>, vector<1x16xi32>,
    }
    %scan3A_8 = arith.constant 640 : i32
    %broadcast_in_dim3A_9 = arith.constant 1.000000e+00 : f32
    %broadcast_in_dim3A_10 = vector.broadcast %broadcast_in_dim3A_9 : f32 to vector<16xf32>
    %swap3A = arith.constant 0 : index
    %swap3A_11 = tpu.vector_load %arg6[%swap3A] {strides = array<i32>} : memref<128xf32, #tpu.memory_space<vmem>>, vector<16xf32>,
    %swap3A_12 = vector.shape_cast %swap3A_11 : vector<16xf32> to vector<16xf32>
    %swap3A_13 = vector.shape_cast %broadcast_in_dim3A_10 : vector<16xf32> to vector<16xf32>
    tpu.vector_store %arg6[%swap3A], %swap3A_13 {strides = array<i32>} : memref<128xf32, #tpu.memory_space<vmem>>, vector<16xf32>,
    %swap3A_14 = arith.constant 16 : index
    %swap3A_15 = tpu.vector_load %arg6[%swap3A_14] {strides = array<i32>} : memref<128xf32, #tpu.memory_space<vmem>>, vector<16xf32>,
    %swap3A_16 = vector.shape_cast %swap3A_15 : vector<16xf32> to vector<16xf32>
    %swap3A_17 = vector.shape_cast %broadcast_in_dim3A_10 : vector<16xf32> to vector<16xf32>
    tpu.vector_store %arg6[%swap3A_14], %swap3A_17 {strides = array<i32>} : memref<128xf32, #tpu.memory_space<vmem>>, vector<16xf32>,
    %swap3A_18 = arith.constant 32 : index
    %swap3A_19 = tpu.vector_load %arg6[%swap3A_18] {strides = array<i32>} : memref<128xf32, #tpu.memory_space<vmem>>, vector<16xf32>,
    %swap3A_20 = vector.shape_cast %swap3A_19 : vector<16xf32> to vector<16xf32>
    %swap3A_21 = vector.shape_cast %broadcast_in_dim3A_10 : vector<16xf32> to vector<16xf32>
    tpu.vector_store %arg6[%swap3A_18], %swap3A_21 {strides = array<i32>} : memref<128xf32, #tpu.memory_space<vmem>>, vector<16xf32>,
    %swap3A_22 = arith.constant 48 : index
    %swap3A_23 = tpu.vector_load %arg6[%swap3A_22] {strides = array<i32>} : memref<128xf32, #tpu.memory_space<vmem>>, vector<16xf32>,
    %swap3A_24 = vector.shape_cast %swap3A_23 : vector<16xf32> to vector<16xf32>
    %swap3A_25 = vector.shape_cast %broadcast_in_dim3A_10 : vector<16xf32> to vector<16xf32>
    tpu.vector_store %arg6[%swap3A_22], %swap3A_25 {strides = array<i32>} : memref<128xf32, #tpu.memory_space<vmem>>, vector<16xf32>,
    %swap3A_26 = arith.constant 64 : index
    %swap3A_27 = tpu.vector_load %arg6[%swap3A_26] {strides = array<i32>} : memref<128xf32, #tpu.memory_space<vmem>>, vector<16xf32>,
    %swap3A_28 = vector.shape_cast %swap3A_27 : vector<16xf32> to vector<16xf32>
    %swap3A_29 = vector.shape_cast %broadcast_in_dim3A_10 : vector<16xf32> to vector<16xf32>
    tpu.vector_store %arg6[%swap3A_26], %swap3A_29 {strides = array<i32>} : memref<128xf32, #tpu.memory_space<vmem>>, vector<16xf32>,
    %swap3A_30 = arith.constant 80 : index
    %swap3A_31 = tpu.vector_load %arg6[%swap3A_30] {strides = array<i32>} : memref<128xf32, #tpu.memory_space<vmem>>, vector<16xf32>,
    %swap3A_32 = vector.shape_cast %swap3A_31 : vector<16xf32> to vector<16xf32>
    %swap3A_33 = vector.shape_cast %broadcast_in_dim3A_10 : vector<16xf32> to vector<16xf32>
    tpu.vector_store %arg6[%swap3A_30], %swap3A_33 {strides = array<i32>} : memref<128xf32, #tpu.memory_space<vmem>>, vector<16xf32>,
    %swap3A_34 = arith.constant 96 : index
    %swap3A_35 = tpu.vector_load %arg6[%swap3A_34] {strides = array<i32>} : memref<128xf32, #tpu.memory_space<vmem>>, vector<16xf32>,
    %swap3A_36 = vector.shape_cast %swap3A_35 : vector<16xf32> to vector<16xf32>
    %swap3A_37 = vector.shape_cast %broadcast_in_dim3A_10 : vector<16xf32> to vector<16xf32>
    tpu.vector_store %arg6[%swap3A_34], %swap3A_37 {strides = array<i32>} : memref<128xf32, #tpu.memory_space<vmem>>, vector<16xf32>,
    %swap3A_38 = arith.constant 112 : index
    %swap3A_39 = tpu.vector_load %arg6[%swap3A_38] {strides = array<i32>} : memref<128xf32, #tpu.memory_space<vmem>>, vector<16xf32>,
    %swap3A_40 = vector.shape_cast %swap3A_39 : vector<16xf32> to vector<16xf32>
    %swap3A_41 = vector.shape_cast %broadcast_in_dim3A_10 : vector<16xf32> to vector<16xf32>
    tpu.vector_store %arg6[%swap3A_38], %swap3A_41 {strides = array<i32>} : memref<128xf32, #tpu.memory_space<vmem>>, vector<16xf32>,
    %mul3A_42 = arith.constant 640 : i32
    %mul3A_43 = arith.muli %arg1, %mul3A_42 : i32
    %broadcast_in_dim3A_44 = arith.constant 0.000000e+00 : f32
    %broadcast_in_dim3A_45 = vector.broadcast %broadcast_in_dim3A_44 : f32 to vector<16xf32>
    %scan3A_46 = arith.constant 0 : i32
    %scan3A_47 = arith.constant 0 : i32
    %scan3A_48 = arith.constant 40 : i32
    %scan3A_49 = arith.addi %scan3A_47, %scan3A_48 : i32
    %scan3A_50 = arith.constant 1 : i32
    scf.for %scan3A_62 = %scan3A_47 to %scan3A_49 step %scan3A_50  : i32 {
      %mul3A_63 = arith.constant 16 : i32
      %mul3A_64 = arith.muli %scan3A_62, %mul3A_63 : i32
      %swap3A_65 = arith.index_cast %mul3A_64 : i32 to index
      %swap3A_66 = tpu.vector_load %arg7[%swap3A_65] {strides = array<i32>} : memref<640xf32, #tpu.memory_space<vmem>>, vector<16xf32>,
      %swap3A_67 = vector.shape_cast %swap3A_66 : vector<16xf32> to vector<16xf32>
      %swap3A_68 = vector.shape_cast %broadcast_in_dim3A_45 : vector<16xf32> to vector<16xf32>
      tpu.vector_store %arg7[%swap3A_65], %swap3A_68 {strides = array<i32>} : memref<640xf32, #tpu.memory_space<vmem>>, vector<16xf32>,
    }
    %scan3A_51 = arith.constant 40 : i32
    "tpu.region"() ({
      %run_scoped3A = tpu.sem_alloc : memref<!tpu.dma_semaphore, #tpu.memory_space<semaphore_mem>>
      %dma_start3A = tpu.memref_slice %arg8[%mul3A_43] : memref<10240xf32, #tpu.memory_space<vmem_shared>> -> memref<640xf32, #tpu.memory_space<vmem_shared>>
      %dma_start3A_62 = tpu.memref_slice %arg8[%mul3A_43] : memref<10240xf32, #tpu.memory_space<vmem_shared>> -> memref<640xf32, #tpu.memory_space<vmem_shared>>
      tpu.enqueue_dma source(%arg7 : memref<640xf32, #tpu.memory_space<vmem>>) target(%dma_start3A_62 : memref<640xf32, #tpu.memory_space<vmem_shared>>) target_semaphore(%run_scoped3A : memref<!tpu.dma_semaphore, #tpu.memory_space<semaphore_mem>>)
      %dma_wait3A = tpu.memref_slice %arg8[%mul3A_43] : memref<10240xf32, #tpu.memory_space<vmem_shared>> -> memref<640xf32, #tpu.memory_space<vmem_shared>>
      %dma_wait3A_63 = tpu.memref_slice %arg8[%mul3A_43] : memref<10240xf32, #tpu.memory_space<vmem_shared>> -> memref<640xf32, #tpu.memory_space<vmem_shared>>
      tpu.wait_dma2 semaphore(%run_scoped3A : memref<!tpu.dma_semaphore, #tpu.memory_space<semaphore_mem>>) src(%arg7 : memref<640xf32, #tpu.memory_space<vmem>>) dst(%dma_wait3A_63 : memref<640xf32, #tpu.memory_space<vmem_shared>>)
      tpu.yield
    }) : () -> ()
    %barrier3A = arith.constant 0 : index
    tpu.barrier barrier_id(%barrier3A)
    %scan3A_52 = arith.constant 0 : i32
    %scan3A_53 = arith.constant 0 : i32
    %scan3A_54 = arith.constant 80 : i32
    %scan3A_55 = arith.addi %scan3A_53, %scan3A_54 : i32
    %scan3A_56 = arith.constant 1 : i32
    scf.for %scan3A_62 = %scan3A_53 to %scan3A_55 step %scan3A_56  : i32 {
      "tpu.region"() ({
        %run_scoped3A = tpu.sem_alloc : memref<!tpu.dma_semaphore, #tpu.memory_space<semaphore_mem>>
        %dma_start3A = arith.constant 0 : i32
        %dma_start3A_63 = tpu.memref_slice %arg5[%scan3A_62, %dma_start3A] : memref<80x128xi32, #tpu.memory_space<vmem>> -> memref<1x128xi32, #tpu.memory_space<vmem>>
        %dma_start3A_64 = tpu.memref_squeeze %dma_start3A_63 : memref<1x128xi32, #tpu.memory_space<vmem>> -> memref<128xi32, #tpu.memory_space<vmem>>
        %dma_start3A_65 = arith.constant 0 : i32
        %dma_start3A_66 = tpu.memref_slice %arg8[%dma_start3A_65] : memref<10240xf32, #tpu.memory_space<vmem_shared>> -> memref<10240xf32, #tpu.memory_space<vmem_shared>>
        tpu.enqueue_indirect_dma source(%arg6 : memref<128xf32, #tpu.memory_space<vmem>>) target(%dma_start3A_66 : memref<10240xf32, #tpu.memory_space<vmem_shared>>) offsets(%dma_start3A_64 : memref<128xi32, #tpu.memory_space<vmem>>) semaphore(%run_scoped3A : memref<!tpu.dma_semaphore, #tpu.memory_space<semaphore_mem>>) {add = true}
        %dma_wait3A = arith.constant 0 : i32
        %dma_wait3A_67 = tpu.memref_slice %arg5[%scan3A_62, %dma_wait3A] : memref<80x128xi32, #tpu.memory_space<vmem>> -> memref<1x128xi32, #tpu.memory_space<vmem>>
        %dma_wait3A_68 = tpu.memref_squeeze %dma_wait3A_67 : memref<1x128xi32, #tpu.memory_space<vmem>> -> memref<128xi32, #tpu.memory_space<vmem>>
        %dma_wait3A_69 = arith.constant 0 : i32
        %dma_wait3A_70 = tpu.memref_slice %arg8[%dma_wait3A_69] : memref<10240xf32, #tpu.memory_space<vmem_shared>> -> memref<10240xf32, #tpu.memory_space<vmem_shared>>
        tpu.wait_indirect_dma semaphore(%run_scoped3A : memref<!tpu.dma_semaphore, #tpu.memory_space<semaphore_mem>>) src(%arg6 : memref<128xf32, #tpu.memory_space<vmem>>) dst(%dma_wait3A_70 : memref<10240xf32, #tpu.memory_space<vmem_shared>>)
        tpu.yield
      }) : () -> ()
    }
    %scan3A_57 = arith.constant 80 : i32
    %barrier3A_58 = arith.constant 0 : index
    tpu.barrier barrier_id(%barrier3A_58)
    "tpu.region"() ({
      %run_scoped3A = tpu.sem_alloc : memref<!tpu.dma_semaphore, #tpu.memory_space<semaphore_mem>>
      %dma_start3A = tpu.memref_slice %arg8[%mul3A_43] : memref<10240xf32, #tpu.memory_space<vmem_shared>> -> memref<640xf32, #tpu.memory_space<vmem_shared>>
      %dma_start3A_62 = tpu.memref_slice %arg8[%mul3A_43] : memref<10240xf32, #tpu.memory_space<vmem_shared>> -> memref<640xf32, #tpu.memory_space<vmem_shared>>
      tpu.enqueue_dma source(%dma_start3A_62 : memref<640xf32, #tpu.memory_space<vmem_shared>>) target(%arg7 : memref<640xf32, #tpu.memory_space<vmem>>) target_semaphore(%run_scoped3A : memref<!tpu.dma_semaphore, #tpu.memory_space<semaphore_mem>>)
      %dma_wait3A = tpu.memref_slice %arg8[%mul3A_43] : memref<10240xf32, #tpu.memory_space<vmem_shared>> -> memref<640xf32, #tpu.memory_space<vmem_shared>>
      %dma_wait3A_63 = tpu.memref_slice %arg8[%mul3A_43] : memref<10240xf32, #tpu.memory_space<vmem_shared>> -> memref<640xf32, #tpu.memory_space<vmem_shared>>
      tpu.wait_dma2 semaphore(%run_scoped3A : memref<!tpu.dma_semaphore, #tpu.memory_space<semaphore_mem>>) src(%dma_wait3A_63 : memref<640xf32, #tpu.memory_space<vmem_shared>>) dst(%arg7 : memref<640xf32, #tpu.memory_space<vmem>>)
      tpu.yield
    }) : () -> ()
    %mul3A_59 = arith.constant 10240 : i32
    %mul3A_60 = arith.muli %arg0, %mul3A_59 : i32
    %add3A_61 = arith.addi %mul3A_60, %mul3A_43 : i32
    "tpu.region"() ({
      %run_scoped3A = tpu.sem_alloc : memref<!tpu.dma_semaphore, #tpu.memory_space<semaphore_mem>>
      %dma_start3A = tpu.memref_slice %arg3[%add3A_61] : memref<20480xf32, #tpu.memory_space<hbm>> -> memref<640xf32, #tpu.memory_space<hbm>>
      %dma_start3A_62 = tpu.memref_slice %arg3[%add3A_61] : memref<20480xf32, #tpu.memory_space<hbm>> -> memref<640xf32, #tpu.memory_space<hbm>>
      tpu.enqueue_dma source(%arg7 : memref<640xf32, #tpu.memory_space<vmem>>) target(%dma_start3A_62 : memref<640xf32, #tpu.memory_space<hbm>>) target_semaphore(%run_scoped3A : memref<!tpu.dma_semaphore, #tpu.memory_space<semaphore_mem>>)
      %dma_wait3A = tpu.memref_slice %arg3[%add3A_61] : memref<20480xf32, #tpu.memory_space<hbm>> -> memref<640xf32, #tpu.memory_space<hbm>>
      %dma_wait3A_63 = tpu.memref_slice %arg3[%add3A_61] : memref<20480xf32, #tpu.memory_space<hbm>> -> memref<640xf32, #tpu.memory_space<hbm>>
      tpu.wait_dma2 semaphore(%run_scoped3A : memref<!tpu.dma_semaphore, #tpu.memory_space<semaphore_mem>>) src(%arg7 : memref<640xf32, #tpu.memory_space<vmem>>) dst(%dma_wait3A_63 : memref<640xf32, #tpu.memory_space<hbm>>)
      tpu.yield
    }) : () -> ()
    return
  }
}

#map = affine_map<(d0, d1) -> (0, 0)>
module attributes {stable_mosaic.version = 14 : i64} {
  func.func @_edge_agg(%arg0: i32, %arg1: i32, %arg2: memref<10240x128xf32, #tpu.memory_space<hbm>>, %arg3: memref<2560x128xi32, #tpu.memory_space<hbm>>, %arg4: memref<10240x128xf32, #tpu.memory_space<hbm>>, %arg5: memref<160x128xi32, #tpu.memory_space<vmem>>, %arg6: memref<160x128xi32, #tpu.memory_space<vmem>>, %arg7: memref<128x128xf32, #tpu.memory_space<vmem>>, %arg8: memref<128x128xf32, #tpu.memory_space<vmem>>, %arg9: memref<64x128xf32, #tpu.memory_space<vmem>>, %arg10: memref<5128x128xf32, #tpu.memory_space<vmem_shared>>, %arg11: memref<!tpu.dma_semaphore, #tpu.memory_space<semaphore_mem>>) attributes {dimension_semantics = [#tpu.dimension_semantics<core_parallel>, #tpu.dimension_semantics<subcore_parallel>], iteration_bounds = array<i64: 2, 16>, scalar_prefetch = 0 : i64, scratch_operands = 7 : i64, tpu.core_type = #tpu.core_type<sc_vector_subcore>, window_params = [{transform_indices = #map}, {transform_indices = #map}, {transform_indices = #map}]} {
    %mul3A = arith.constant 160 : i32
    %mul3A_0 = arith.muli %arg1, %mul3A : i32
    "tpu.region"() ({
      %run_scoped3A = tpu.sem_alloc : memref<!tpu.dma_semaphore, #tpu.memory_space<semaphore_mem>>
      %dma_start3A_70 = arith.constant 0 : i32
      %dma_start3A_71 = tpu.memref_slice %arg3[%mul3A_0, %dma_start3A_70] : memref<2560x128xi32, #tpu.memory_space<hbm>> -> memref<160x128xi32, #tpu.memory_space<hbm>>
      %dma_start3A_72 = arith.constant 0 : i32
      %dma_start3A_73 = tpu.memref_slice %arg3[%mul3A_0, %dma_start3A_72] : memref<2560x128xi32, #tpu.memory_space<hbm>> -> memref<160x128xi32, #tpu.memory_space<hbm>>
      tpu.enqueue_dma source(%dma_start3A_73 : memref<160x128xi32, #tpu.memory_space<hbm>>) target(%arg5 : memref<160x128xi32, #tpu.memory_space<vmem>>) target_semaphore(%run_scoped3A : memref<!tpu.dma_semaphore, #tpu.memory_space<semaphore_mem>>)
      %dma_wait3A = arith.constant 0 : i32
      %dma_wait3A_74 = tpu.memref_slice %arg3[%mul3A_0, %dma_wait3A] : memref<2560x128xi32, #tpu.memory_space<hbm>> -> memref<160x128xi32, #tpu.memory_space<hbm>>
      %dma_wait3A_75 = arith.constant 0 : i32
      %dma_wait3A_76 = tpu.memref_slice %arg3[%mul3A_0, %dma_wait3A_75] : memref<2560x128xi32, #tpu.memory_space<hbm>> -> memref<160x128xi32, #tpu.memory_space<hbm>>
      tpu.wait_dma2 semaphore(%run_scoped3A : memref<!tpu.dma_semaphore, #tpu.memory_space<semaphore_mem>>) src(%dma_wait3A_76 : memref<160x128xi32, #tpu.memory_space<hbm>>) dst(%arg5 : memref<160x128xi32, #tpu.memory_space<vmem>>)
      tpu.yield
    }) : () -> ()
    %broadcast_in_dim3A = arith.constant 16383 : i32
    %broadcast_in_dim3A_1 = vector.broadcast %broadcast_in_dim3A : i32 to vector<16xi32>
    %broadcast_in_dim3A_2 = arith.constant 14 : i32
    %broadcast_in_dim3A_3 = vector.broadcast %broadcast_in_dim3A_2 : i32 to vector<16xi32>
    %mul3A_4 = arith.constant 5120 : i32
    %mul3A_5 = arith.muli %arg0, %mul3A_4 : i32
    %broadcast_in_dim3A_6 = arith.constant 5120 : i32
    %broadcast_in_dim3A_7 = vector.broadcast %broadcast_in_dim3A_6 : i32 to vector<16xi32>
    %scan3A = arith.constant 0 : i32
    %scan3A_8 = arith.constant 0 : i32
    %scan3A_9 = arith.constant 1280 : i32
    %scan3A_10 = arith.addi %scan3A_8, %scan3A_9 : i32
    %scan3A_11 = arith.constant 1 : i32
    scf.for %scan3A_70 = %scan3A_8 to %scan3A_10 step %scan3A_11  : i32 {
      %jit3A = arith.constant 8 : i32
      %div3A = arith.divsi %scan3A_70, %jit3A : i32
      %sign3A = arith.constant 0 : i32
      %sign3A_71 = arith.cmpi sgt, %scan3A_70, %sign3A : i32
      %sign3A_72 = arith.extui %sign3A_71 : i1 to i32
      %sign3A_73 = arith.constant 0 : i32
      %sign3A_74 = arith.cmpi slt, %scan3A_70, %sign3A_73 : i32
      %sign3A_75 = arith.extui %sign3A_74 : i1 to i32
      %sign3A_76 = arith.subi %sign3A_72, %sign3A_75 : i32
      %sign3A_77 = arith.constant 0 : i32
      %sign3A_78 = arith.cmpi sgt, %jit3A, %sign3A_77 : i32
      %sign3A_79 = arith.extui %sign3A_78 : i1 to i32
      %sign3A_80 = arith.constant 0 : i32
      %sign3A_81 = arith.cmpi slt, %jit3A, %sign3A_80 : i32
      %sign3A_82 = arith.extui %sign3A_81 : i1 to i32
      %sign3A_83 = arith.subi %sign3A_79, %sign3A_82 : i32
      %ne3A = arith.cmpi ne, %sign3A_76, %sign3A_83 : i32
      %rem3A = arith.remsi %scan3A_70, %jit3A : i32
      %ne3A_84 = arith.constant 0 : i32
      %ne3A_85 = arith.cmpi ne, %rem3A, %ne3A_84 : i32
      %and3A = arith.andi %ne3A, %ne3A_85 : i1
      %sub3A = arith.constant 1 : i32
      %sub3A_86 = arith.subi %div3A, %sub3A : i32
      %select_n3A = arith.select %and3A, %sub3A_86, %div3A : i32
      %jit3A_87 = arith.constant 8 : i32
      %eq3A = arith.constant 0 : i32
      %eq3A_88 = arith.cmpi eq, %jit3A_87, %eq3A : i32
      %jit3A_89 = arith.constant 1 : i32
      %select_n3A_90 = arith.select %eq3A_88, %jit3A_89, %jit3A_87 : i32
      %rem3A_91 = arith.remsi %scan3A_70, %select_n3A_90 : i32
      %ne3A_92 = arith.constant 0 : i32
      %ne3A_93 = arith.cmpi ne, %rem3A_91, %ne3A_92 : i32
      %lt3A = arith.constant 0 : i32
      %lt3A_94 = arith.cmpi slt, %rem3A_91, %lt3A : i32
      %lt3A_95 = arith.constant 0 : i32
      %lt3A_96 = arith.cmpi slt, %select_n3A_90, %lt3A_95 : i32
      %ne3A_97 = arith.xori %lt3A_94, %lt3A_96 : i1
      %and3A_98 = arith.andi %ne3A_97, %ne3A_93 : i1
      %add3A_99 = arith.addi %rem3A_91, %select_n3A_90 : i32
      %select_n3A_100 = arith.select %and3A_98, %add3A_99, %rem3A_91 : i32
      %mul3A_101 = arith.constant 16 : i32
      %mul3A_102 = arith.muli %select_n3A_100, %mul3A_101 : i32
      %get3A = arith.index_cast %select_n3A : i32 to index
      %get3A_103 = arith.index_cast %mul3A_102 : i32 to index
      %get3A_104 = tpu.vector_load %arg5[%get3A, %get3A_103] {strides = array<i32>} : memref<160x128xi32, #tpu.memory_space<vmem>>, vector<1x16xi32>,
      %get3A_105 = vector.shape_cast %get3A_104 : vector<1x16xi32> to vector<16xi32>
      %and3A_106 = arith.andi %get3A_105, %broadcast_in_dim3A_1 : vector<16xi32>
      %sub3A_107 = vector.broadcast %mul3A_5 : i32 to vector<16xi32>
      %sub3A_108 = arith.subi %and3A_106, %sub3A_107 : vector<16xi32>
      %ge3A = arith.constant 0 : i32
      %ge3A_109 = vector.broadcast %ge3A : i32 to vector<16xi32>
      %ge3A_110 = arith.cmpi sge, %sub3A_108, %ge3A_109 : vector<16xi32>
      %lt3A_111 = arith.constant 5120 : i32
      %lt3A_112 = vector.broadcast %lt3A_111 : i32 to vector<16xi32>
      %lt3A_113 = arith.cmpi slt, %sub3A_108, %lt3A_112 : vector<16xi32>
      %and3A_114 = arith.andi %ge3A_110, %lt3A_113 : vector<16xi1>
      %broadcast_in_dim3A_115 = arith.constant 10239 : i32
      %broadcast_in_dim3A_116 = vector.broadcast %broadcast_in_dim3A_115 : i32 to vector<16xi32>
      %shift_right_logical3A = arith.shrui %get3A_105, %broadcast_in_dim3A_3 : vector<16xi32>
      %select_n3A_117 = arith.select %and3A_114, %shift_right_logical3A, %broadcast_in_dim3A_116 : vector<16xi1>, vector<16xi32>
      %swap3A = arith.index_cast %select_n3A : i32 to index
      %swap3A_118 = arith.index_cast %mul3A_102 : i32 to index
      %swap3A_119 = tpu.vector_load %arg5[%swap3A, %swap3A_118] {strides = array<i32>} : memref<160x128xi32, #tpu.memory_space<vmem>>, vector<1x16xi32>,
      %swap3A_120 = vector.shape_cast %swap3A_119 : vector<1x16xi32> to vector<16xi32>
      %swap3A_121 = vector.shape_cast %select_n3A_117 : vector<16xi32> to vector<1x16xi32>
      tpu.vector_store %arg5[%swap3A, %swap3A_118], %swap3A_121 {strides = array<i32>} : memref<160x128xi32, #tpu.memory_space<vmem>>, vector<1x16xi32>,
      %select_n3A_122 = arith.select %and3A_114, %sub3A_108, %broadcast_in_dim3A_7 : vector<16xi1>, vector<16xi32>
      %swap3A_123 = arith.index_cast %select_n3A : i32 to index
      %swap3A_124 = arith.index_cast %mul3A_102 : i32 to index
      %swap3A_125 = tpu.vector_load %arg6[%swap3A_123, %swap3A_124] {strides = array<i32>} : memref<160x128xi32, #tpu.memory_space<vmem>>, vector<1x16xi32>,
      %swap3A_126 = vector.shape_cast %swap3A_125 : vector<1x16xi32> to vector<16xi32>
      %swap3A_127 = vector.shape_cast %select_n3A_122 : vector<16xi32> to vector<1x16xi32>
      tpu.vector_store %arg6[%swap3A_123, %swap3A_124], %swap3A_127 {strides = array<i32>} : memref<160x128xi32, #tpu.memory_space<vmem>>, vector<1x16xi32>,
    }
    %scan3A_12 = arith.constant 1280 : i32
    %broadcast_in_dim3A_13 = arith.constant 0.000000e+00 : f32
    %broadcast_in_dim3A_14 = vector.broadcast %broadcast_in_dim3A_13 : f32 to vector<16xf32>
    %scan3A_15 = arith.constant 0 : i32
    %scan3A_16 = arith.constant 0 : i32
    %scan3A_17 = arith.constant 64 : i32
    %scan3A_18 = arith.addi %scan3A_16, %scan3A_17 : i32
    %scan3A_19 = arith.constant 1 : i32
    scf.for %scan3A_70 = %scan3A_16 to %scan3A_18 step %scan3A_19  : i32 {
      %swap3A = arith.index_cast %scan3A_70 : i32 to index
      %swap3A_71 = arith.constant 0 : index
      %swap3A_72 = tpu.vector_load %arg9[%swap3A, %swap3A_71] {strides = array<i32>} : memref<64x128xf32, #tpu.memory_space<vmem>>, vector<1x16xf32>,
      %swap3A_73 = vector.shape_cast %swap3A_72 : vector<1x16xf32> to vector<16xf32>
      %swap3A_74 = vector.shape_cast %broadcast_in_dim3A_14 : vector<16xf32> to vector<1x16xf32>
      tpu.vector_store %arg9[%swap3A, %swap3A_71], %swap3A_74 {strides = array<i32>} : memref<64x128xf32, #tpu.memory_space<vmem>>, vector<1x16xf32>,
      %swap3A_75 = arith.index_cast %scan3A_70 : i32 to index
      %swap3A_76 = arith.constant 16 : index
      %swap3A_77 = tpu.vector_load %arg9[%swap3A_75, %swap3A_76] {strides = array<i32>} : memref<64x128xf32, #tpu.memory_space<vmem>>, vector<1x16xf32>,
      %swap3A_78 = vector.shape_cast %swap3A_77 : vector<1x16xf32> to vector<16xf32>
      %swap3A_79 = vector.shape_cast %broadcast_in_dim3A_14 : vector<16xf32> to vector<1x16xf32>
      tpu.vector_store %arg9[%swap3A_75, %swap3A_76], %swap3A_79 {strides = array<i32>} : memref<64x128xf32, #tpu.memory_space<vmem>>, vector<1x16xf32>,
      %swap3A_80 = arith.index_cast %scan3A_70 : i32 to index
      %swap3A_81 = arith.constant 32 : index
      %swap3A_82 = tpu.vector_load %arg9[%swap3A_80, %swap3A_81] {strides = array<i32>} : memref<64x128xf32, #tpu.memory_space<vmem>>, vector<1x16xf32>,
      %swap3A_83 = vector.shape_cast %swap3A_82 : vector<1x16xf32> to vector<16xf32>
      %swap3A_84 = vector.shape_cast %broadcast_in_dim3A_14 : vector<16xf32> to vector<1x16xf32>
      tpu.vector_store %arg9[%swap3A_80, %swap3A_81], %swap3A_84 {strides = array<i32>} : memref<64x128xf32, #tpu.memory_space<vmem>>, vector<1x16xf32>,
      %swap3A_85 = arith.index_cast %scan3A_70 : i32 to index
      %swap3A_86 = arith.constant 48 : index
      %swap3A_87 = tpu.vector_load %arg9[%swap3A_85, %swap3A_86] {strides = array<i32>} : memref<64x128xf32, #tpu.memory_space<vmem>>, vector<1x16xf32>,
      %swap3A_88 = vector.shape_cast %swap3A_87 : vector<1x16xf32> to vector<16xf32>
      %swap3A_89 = vector.shape_cast %broadcast_in_dim3A_14 : vector<16xf32> to vector<1x16xf32>
      tpu.vector_store %arg9[%swap3A_85, %swap3A_86], %swap3A_89 {strides = array<i32>} : memref<64x128xf32, #tpu.memory_space<vmem>>, vector<1x16xf32>,
      %swap3A_90 = arith.index_cast %scan3A_70 : i32 to index
      %swap3A_91 = arith.constant 64 : index
      %swap3A_92 = tpu.vector_load %arg9[%swap3A_90, %swap3A_91] {strides = array<i32>} : memref<64x128xf32, #tpu.memory_space<vmem>>, vector<1x16xf32>,
      %swap3A_93 = vector.shape_cast %swap3A_92 : vector<1x16xf32> to vector<16xf32>
      %swap3A_94 = vector.shape_cast %broadcast_in_dim3A_14 : vector<16xf32> to vector<1x16xf32>
      tpu.vector_store %arg9[%swap3A_90, %swap3A_91], %swap3A_94 {strides = array<i32>} : memref<64x128xf32, #tpu.memory_space<vmem>>, vector<1x16xf32>,
      %swap3A_95 = arith.index_cast %scan3A_70 : i32 to index
      %swap3A_96 = arith.constant 80 : index
      %swap3A_97 = tpu.vector_load %arg9[%swap3A_95, %swap3A_96] {strides = array<i32>} : memref<64x128xf32, #tpu.memory_space<vmem>>, vector<1x16xf32>,
      %swap3A_98 = vector.shape_cast %swap3A_97 : vector<1x16xf32> to vector<16xf32>
      %swap3A_99 = vector.shape_cast %broadcast_in_dim3A_14 : vector<16xf32> to vector<1x16xf32>
      tpu.vector_store %arg9[%swap3A_95, %swap3A_96], %swap3A_99 {strides = array<i32>} : memref<64x128xf32, #tpu.memory_space<vmem>>, vector<1x16xf32>,
      %swap3A_100 = arith.index_cast %scan3A_70 : i32 to index
      %swap3A_101 = arith.constant 96 : index
      %swap3A_102 = tpu.vector_load %arg9[%swap3A_100, %swap3A_101] {strides = array<i32>} : memref<64x128xf32, #tpu.memory_space<vmem>>, vector<1x16xf32>,
      %swap3A_103 = vector.shape_cast %swap3A_102 : vector<1x16xf32> to vector<16xf32>
      %swap3A_104 = vector.shape_cast %broadcast_in_dim3A_14 : vector<16xf32> to vector<1x16xf32>
      tpu.vector_store %arg9[%swap3A_100, %swap3A_101], %swap3A_104 {strides = array<i32>} : memref<64x128xf32, #tpu.memory_space<vmem>>, vector<1x16xf32>,
      %swap3A_105 = arith.index_cast %scan3A_70 : i32 to index
      %swap3A_106 = arith.constant 112 : index
      %swap3A_107 = tpu.vector_load %arg9[%swap3A_105, %swap3A_106] {strides = array<i32>} : memref<64x128xf32, #tpu.memory_space<vmem>>, vector<1x16xf32>,
      %swap3A_108 = vector.shape_cast %swap3A_107 : vector<1x16xf32> to vector<16xf32>
      %swap3A_109 = vector.shape_cast %broadcast_in_dim3A_14 : vector<16xf32> to vector<1x16xf32>
      tpu.vector_store %arg9[%swap3A_105, %swap3A_106], %swap3A_109 {strides = array<i32>} : memref<64x128xf32, #tpu.memory_space<vmem>>, vector<1x16xf32>,
    }
    %scan3A_20 = arith.constant 64 : i32
    %mul3A_21 = arith.constant 320 : i32
    %mul3A_22 = arith.muli %arg1, %mul3A_21 : i32
    %add3A = arith.constant 0 : i32
    %add3A_23 = arith.addi %mul3A_22, %add3A : i32
    "tpu.region"() ({
      %run_scoped3A = tpu.sem_alloc : memref<!tpu.dma_semaphore, #tpu.memory_space<semaphore_mem>>
      %dma_start3A_70 = arith.constant 0 : i32
      %dma_start3A_71 = tpu.memref_slice %arg10[%add3A_23, %dma_start3A_70] : memref<5128x128xf32, #tpu.memory_space<vmem_shared>> -> memref<64x128xf32, #tpu.memory_space<vmem_shared>>
      %dma_start3A_72 = arith.constant 0 : i32
      %dma_start3A_73 = tpu.memref_slice %arg10[%add3A_23, %dma_start3A_72] : memref<5128x128xf32, #tpu.memory_space<vmem_shared>> -> memref<64x128xf32, #tpu.memory_space<vmem_shared>>
      tpu.enqueue_dma source(%arg9 : memref<64x128xf32, #tpu.memory_space<vmem>>) target(%dma_start3A_73 : memref<64x128xf32, #tpu.memory_space<vmem_shared>>) target_semaphore(%run_scoped3A : memref<!tpu.dma_semaphore, #tpu.memory_space<semaphore_mem>>)
      %dma_wait3A = arith.constant 0 : i32
      %dma_wait3A_74 = tpu.memref_slice %arg10[%add3A_23, %dma_wait3A] : memref<5128x128xf32, #tpu.memory_space<vmem_shared>> -> memref<64x128xf32, #tpu.memory_space<vmem_shared>>
      %dma_wait3A_75 = arith.constant 0 : i32
      %dma_wait3A_76 = tpu.memref_slice %arg10[%add3A_23, %dma_wait3A_75] : memref<5128x128xf32, #tpu.memory_space<vmem_shared>> -> memref<64x128xf32, #tpu.memory_space<vmem_shared>>
      tpu.wait_dma2 semaphore(%run_scoped3A : memref<!tpu.dma_semaphore, #tpu.memory_space<semaphore_mem>>) src(%arg9 : memref<64x128xf32, #tpu.memory_space<vmem>>) dst(%dma_wait3A_76 : memref<64x128xf32, #tpu.memory_space<vmem_shared>>)
      tpu.yield
    }) : () -> ()
    %add3A_24 = arith.constant 64 : i32
    %add3A_25 = arith.addi %mul3A_22, %add3A_24 : i32
    "tpu.region"() ({
      %run_scoped3A = tpu.sem_alloc : memref<!tpu.dma_semaphore, #tpu.memory_space<semaphore_mem>>
      %dma_start3A_70 = arith.constant 0 : i32
      %dma_start3A_71 = tpu.memref_slice %arg10[%add3A_25, %dma_start3A_70] : memref<5128x128xf32, #tpu.memory_space<vmem_shared>> -> memref<64x128xf32, #tpu.memory_space<vmem_shared>>
      %dma_start3A_72 = arith.constant 0 : i32
      %dma_start3A_73 = tpu.memref_slice %arg10[%add3A_25, %dma_start3A_72] : memref<5128x128xf32, #tpu.memory_space<vmem_shared>> -> memref<64x128xf32, #tpu.memory_space<vmem_shared>>
      tpu.enqueue_dma source(%arg9 : memref<64x128xf32, #tpu.memory_space<vmem>>) target(%dma_start3A_73 : memref<64x128xf32, #tpu.memory_space<vmem_shared>>) target_semaphore(%run_scoped3A : memref<!tpu.dma_semaphore, #tpu.memory_space<semaphore_mem>>)
      %dma_wait3A = arith.constant 0 : i32
      %dma_wait3A_74 = tpu.memref_slice %arg10[%add3A_25, %dma_wait3A] : memref<5128x128xf32, #tpu.memory_space<vmem_shared>> -> memref<64x128xf32, #tpu.memory_space<vmem_shared>>
      %dma_wait3A_75 = arith.constant 0 : i32
      %dma_wait3A_76 = tpu.memref_slice %arg10[%add3A_25, %dma_wait3A_75] : memref<5128x128xf32, #tpu.memory_space<vmem_shared>> -> memref<64x128xf32, #tpu.memory_space<vmem_shared>>
      tpu.wait_dma2 semaphore(%run_scoped3A : memref<!tpu.dma_semaphore, #tpu.memory_space<semaphore_mem>>) src(%arg9 : memref<64x128xf32, #tpu.memory_space<vmem>>) dst(%dma_wait3A_76 : memref<64x128xf32, #tpu.memory_space<vmem_shared>>)
      tpu.yield
    }) : () -> ()
    %add3A_26 = arith.constant 128 : i32
    %add3A_27 = arith.addi %mul3A_22, %add3A_26 : i32
    "tpu.region"() ({
      %run_scoped3A = tpu.sem_alloc : memref<!tpu.dma_semaphore, #tpu.memory_space<semaphore_mem>>
      %dma_start3A_70 = arith.constant 0 : i32
      %dma_start3A_71 = tpu.memref_slice %arg10[%add3A_27, %dma_start3A_70] : memref<5128x128xf32, #tpu.memory_space<vmem_shared>> -> memref<64x128xf32, #tpu.memory_space<vmem_shared>>
      %dma_start3A_72 = arith.constant 0 : i32
      %dma_start3A_73 = tpu.memref_slice %arg10[%add3A_27, %dma_start3A_72] : memref<5128x128xf32, #tpu.memory_space<vmem_shared>> -> memref<64x128xf32, #tpu.memory_space<vmem_shared>>
      tpu.enqueue_dma source(%arg9 : memref<64x128xf32, #tpu.memory_space<vmem>>) target(%dma_start3A_73 : memref<64x128xf32, #tpu.memory_space<vmem_shared>>) target_semaphore(%run_scoped3A : memref<!tpu.dma_semaphore, #tpu.memory_space<semaphore_mem>>)
      %dma_wait3A = arith.constant 0 : i32
      %dma_wait3A_74 = tpu.memref_slice %arg10[%add3A_27, %dma_wait3A] : memref<5128x128xf32, #tpu.memory_space<vmem_shared>> -> memref<64x128xf32, #tpu.memory_space<vmem_shared>>
      %dma_wait3A_75 = arith.constant 0 : i32
      %dma_wait3A_76 = tpu.memref_slice %arg10[%add3A_27, %dma_wait3A_75] : memref<5128x128xf32, #tpu.memory_space<vmem_shared>> -> memref<64x128xf32, #tpu.memory_space<vmem_shared>>
      tpu.wait_dma2 semaphore(%run_scoped3A : memref<!tpu.dma_semaphore, #tpu.memory_space<semaphore_mem>>) src(%arg9 : memref<64x128xf32, #tpu.memory_space<vmem>>) dst(%dma_wait3A_76 : memref<64x128xf32, #tpu.memory_space<vmem_shared>>)
      tpu.yield
    }) : () -> ()
    %add3A_28 = arith.constant 192 : i32
    %add3A_29 = arith.addi %mul3A_22, %add3A_28 : i32
    "tpu.region"() ({
      %run_scoped3A = tpu.sem_alloc : memref<!tpu.dma_semaphore, #tpu.memory_space<semaphore_mem>>
      %dma_start3A_70 = arith.constant 0 : i32
      %dma_start3A_71 = tpu.memref_slice %arg10[%add3A_29, %dma_start3A_70] : memref<5128x128xf32, #tpu.memory_space<vmem_shared>> -> memref<64x128xf32, #tpu.memory_space<vmem_shared>>
      %dma_start3A_72 = arith.constant 0 : i32
      %dma_start3A_73 = tpu.memref_slice %arg10[%add3A_29, %dma_start3A_72] : memref<5128x128xf32, #tpu.memory_space<vmem_shared>> -> memref<64x128xf32, #tpu.memory_space<vmem_shared>>
      tpu.enqueue_dma source(%arg9 : memref<64x128xf32, #tpu.memory_space<vmem>>) target(%dma_start3A_73 : memref<64x128xf32, #tpu.memory_space<vmem_shared>>) target_semaphore(%run_scoped3A : memref<!tpu.dma_semaphore, #tpu.memory_space<semaphore_mem>>)
      %dma_wait3A = arith.constant 0 : i32
      %dma_wait3A_74 = tpu.memref_slice %arg10[%add3A_29, %dma_wait3A] : memref<5128x128xf32, #tpu.memory_space<vmem_shared>> -> memref<64x128xf32, #tpu.memory_space<vmem_shared>>
      %dma_wait3A_75 = arith.constant 0 : i32
      %dma_wait3A_76 = tpu.memref_slice %arg10[%add3A_29, %dma_wait3A_75] : memref<5128x128xf32, #tpu.memory_space<vmem_shared>> -> memref<64x128xf32, #tpu.memory_space<vmem_shared>>
      tpu.wait_dma2 semaphore(%run_scoped3A : memref<!tpu.dma_semaphore, #tpu.memory_space<semaphore_mem>>) src(%arg9 : memref<64x128xf32, #tpu.memory_space<vmem>>) dst(%dma_wait3A_76 : memref<64x128xf32, #tpu.memory_space<vmem_shared>>)
      tpu.yield
    }) : () -> ()
    %add3A_30 = arith.constant 256 : i32
    %add3A_31 = arith.addi %mul3A_22, %add3A_30 : i32
    "tpu.region"() ({
      %run_scoped3A = tpu.sem_alloc : memref<!tpu.dma_semaphore, #tpu.memory_space<semaphore_mem>>
      %dma_start3A_70 = arith.constant 0 : i32
      %dma_start3A_71 = tpu.memref_slice %arg10[%add3A_31, %dma_start3A_70] : memref<5128x128xf32, #tpu.memory_space<vmem_shared>> -> memref<64x128xf32, #tpu.memory_space<vmem_shared>>
      %dma_start3A_72 = arith.constant 0 : i32
      %dma_start3A_73 = tpu.memref_slice %arg10[%add3A_31, %dma_start3A_72] : memref<5128x128xf32, #tpu.memory_space<vmem_shared>> -> memref<64x128xf32, #tpu.memory_space<vmem_shared>>
      tpu.enqueue_dma source(%arg9 : memref<64x128xf32, #tpu.memory_space<vmem>>) target(%dma_start3A_73 : memref<64x128xf32, #tpu.memory_space<vmem_shared>>) target_semaphore(%run_scoped3A : memref<!tpu.dma_semaphore, #tpu.memory_space<semaphore_mem>>)
      %dma_wait3A = arith.constant 0 : i32
      %dma_wait3A_74 = tpu.memref_slice %arg10[%add3A_31, %dma_wait3A] : memref<5128x128xf32, #tpu.memory_space<vmem_shared>> -> memref<64x128xf32, #tpu.memory_space<vmem_shared>>
      %dma_wait3A_75 = arith.constant 0 : i32
      %dma_wait3A_76 = tpu.memref_slice %arg10[%add3A_31, %dma_wait3A_75] : memref<5128x128xf32, #tpu.memory_space<vmem_shared>> -> memref<64x128xf32, #tpu.memory_space<vmem_shared>>
      tpu.wait_dma2 semaphore(%run_scoped3A : memref<!tpu.dma_semaphore, #tpu.memory_space<semaphore_mem>>) src(%arg9 : memref<64x128xf32, #tpu.memory_space<vmem>>) dst(%dma_wait3A_76 : memref<64x128xf32, #tpu.memory_space<vmem_shared>>)
      tpu.yield
    }) : () -> ()
    %barrier3A = arith.constant 0 : index
    tpu.barrier barrier_id(%barrier3A)
    %dma_start3A = arith.constant 0 : i32
    %dma_start3A_32 = arith.constant 0 : i32
    %dma_start3A_33 = tpu.memref_slice %arg5[%dma_start3A, %dma_start3A_32] : memref<160x128xi32, #tpu.memory_space<vmem>> -> memref<1x128xi32, #tpu.memory_space<vmem>>
    %dma_start3A_34 = tpu.memref_squeeze %dma_start3A_33 : memref<1x128xi32, #tpu.memory_space<vmem>> -> memref<128xi32, #tpu.memory_space<vmem>>
    %dma_start3A_35 = arith.constant 0 : i32
    %dma_start3A_36 = arith.constant 0 : i32
    %dma_start3A_37 = tpu.memref_slice %arg2[%dma_start3A_35, %dma_start3A_36] : memref<10240x128xf32, #tpu.memory_space<hbm>> -> memref<10240x128xf32, #tpu.memory_space<hbm>>
    tpu.enqueue_indirect_dma source(%dma_start3A_37 : memref<10240x128xf32, #tpu.memory_space<hbm>>) target(%arg7 : memref<128x128xf32, #tpu.memory_space<vmem>>) offsets(%dma_start3A_34 : memref<128xi32, #tpu.memory_space<vmem>>) semaphore(%arg11 : memref<!tpu.dma_semaphore, #tpu.memory_space<semaphore_mem>>)
    %scan3A_38 = arith.constant 0 : i32
    %scan3A_39 = arith.constant 0 : i32
    %scan3A_40 = arith.constant 80 : i32
    %scan3A_41 = arith.addi %scan3A_39, %scan3A_40 : i32
    %scan3A_42 = arith.constant 1 : i32
    scf.for %scan3A_70 = %scan3A_39 to %scan3A_41 step %scan3A_42  : i32 {
      %mul3A_71 = arith.constant 2 : i32
      %mul3A_72 = arith.muli %mul3A_71, %scan3A_70 : i32
      %add3A_73 = arith.constant 1 : i32
      %add3A_74 = arith.addi %mul3A_72, %add3A_73 : i32
      %dma_start3A_75 = arith.constant 0 : i32
      %dma_start3A_76 = tpu.memref_slice %arg5[%add3A_74, %dma_start3A_75] : memref<160x128xi32, #tpu.memory_space<vmem>> -> memref<1x128xi32, #tpu.memory_space<vmem>>
      %dma_start3A_77 = tpu.memref_squeeze %dma_start3A_76 : memref<1x128xi32, #tpu.memory_space<vmem>> -> memref<128xi32, #tpu.memory_space<vmem>>
      %dma_start3A_78 = arith.constant 0 : i32
      %dma_start3A_79 = arith.constant 0 : i32
      %dma_start3A_80 = tpu.memref_slice %arg2[%dma_start3A_78, %dma_start3A_79] : memref<10240x128xf32, #tpu.memory_space<hbm>> -> memref<10240x128xf32, #tpu.memory_space<hbm>>
      tpu.enqueue_indirect_dma source(%dma_start3A_80 : memref<10240x128xf32, #tpu.memory_space<hbm>>) target(%arg8 : memref<128x128xf32, #tpu.memory_space<vmem>>) offsets(%dma_start3A_77 : memref<128xi32, #tpu.memory_space<vmem>>) semaphore(%arg11 : memref<!tpu.dma_semaphore, #tpu.memory_space<semaphore_mem>>)
      %dma_wait3A = arith.constant 0 : i32
      %dma_wait3A_81 = tpu.memref_slice %arg5[%mul3A_72, %dma_wait3A] : memref<160x128xi32, #tpu.memory_space<vmem>> -> memref<1x128xi32, #tpu.memory_space<vmem>>
      %dma_wait3A_82 = tpu.memref_squeeze %dma_wait3A_81 : memref<1x128xi32, #tpu.memory_space<vmem>> -> memref<128xi32, #tpu.memory_space<vmem>>
      %dma_wait3A_83 = arith.constant 0 : i32
      %dma_wait3A_84 = arith.constant 0 : i32
      %dma_wait3A_85 = tpu.memref_slice %arg2[%dma_wait3A_83, %dma_wait3A_84] : memref<10240x128xf32, #tpu.memory_space<hbm>> -> memref<10240x128xf32, #tpu.memory_space<hbm>>
      tpu.wait_indirect_dma semaphore(%arg11 : memref<!tpu.dma_semaphore, #tpu.memory_space<semaphore_mem>>) src(%dma_wait3A_85 : memref<10240x128xf32, #tpu.memory_space<hbm>>) dst(%arg7 : memref<128x128xf32, #tpu.memory_space<vmem>>)
      "tpu.region"() ({
        %run_scoped3A = tpu.sem_alloc : memref<!tpu.dma_semaphore, #tpu.memory_space<semaphore_mem>>
        %dma_start3A_100 = arith.constant 0 : i32
        %dma_start3A_101 = tpu.memref_slice %arg6[%mul3A_72, %dma_start3A_100] : memref<160x128xi32, #tpu.memory_space<vmem>> -> memref<1x128xi32, #tpu.memory_space<vmem>>
        %dma_start3A_102 = tpu.memref_squeeze %dma_start3A_101 : memref<1x128xi32, #tpu.memory_space<vmem>> -> memref<128xi32, #tpu.memory_space<vmem>>
        %dma_start3A_103 = arith.constant 0 : i32
        %dma_start3A_104 = arith.constant 0 : i32
        %dma_start3A_105 = tpu.memref_slice %arg10[%dma_start3A_103, %dma_start3A_104] : memref<5128x128xf32, #tpu.memory_space<vmem_shared>> -> memref<5128x128xf32, #tpu.memory_space<vmem_shared>>
        tpu.enqueue_indirect_dma source(%arg7 : memref<128x128xf32, #tpu.memory_space<vmem>>) target(%dma_start3A_105 : memref<5128x128xf32, #tpu.memory_space<vmem_shared>>) offsets(%dma_start3A_102 : memref<128xi32, #tpu.memory_space<vmem>>) semaphore(%run_scoped3A : memref<!tpu.dma_semaphore, #tpu.memory_space<semaphore_mem>>) {add = true}
        %dma_wait3A_106 = arith.constant 0 : i32
        %dma_wait3A_107 = tpu.memref_slice %arg6[%mul3A_72, %dma_wait3A_106] : memref<160x128xi32, #tpu.memory_space<vmem>> -> memref<1x128xi32, #tpu.memory_space<vmem>>
        %dma_wait3A_108 = tpu.memref_squeeze %dma_wait3A_107 : memref<1x128xi32, #tpu.memory_space<vmem>> -> memref<128xi32, #tpu.memory_space<vmem>>
        %dma_wait3A_109 = arith.constant 0 : i32
        %dma_wait3A_110 = arith.constant 0 : i32
        %dma_wait3A_111 = tpu.memref_slice %arg10[%dma_wait3A_109, %dma_wait3A_110] : memref<5128x128xf32, #tpu.memory_space<vmem_shared>> -> memref<5128x128xf32, #tpu.memory_space<vmem_shared>>
        tpu.wait_indirect_dma semaphore(%run_scoped3A : memref<!tpu.dma_semaphore, #tpu.memory_space<semaphore_mem>>) src(%arg7 : memref<128x128xf32, #tpu.memory_space<vmem>>) dst(%dma_wait3A_111 : memref<5128x128xf32, #tpu.memory_space<vmem_shared>>)
        tpu.yield
      }) : () -> ()
      %add3A_86 = arith.constant 2 : i32
      %add3A_87 = arith.addi %mul3A_72, %add3A_86 : i32
      %lt3A = arith.constant 160 : i32
      %lt3A_88 = arith.cmpi slt, %add3A_87, %lt3A : i32
      %convert_element_type3A = arith.extui %lt3A_88 : i1 to i32
      %cond3A = arith.constant 0 : i32
      %cond3A_89 = arith.cmpi ne, %convert_element_type3A, %cond3A : i32
      scf.if %cond3A_89 {
        %add3A_100 = arith.constant 2 : i32
        %add3A_101 = arith.addi %mul3A_72, %add3A_100 : i32
        %dma_start3A_102 = arith.constant 0 : i32
        %dma_start3A_103 = tpu.memref_slice %arg5[%add3A_101, %dma_start3A_102] : memref<160x128xi32, #tpu.memory_space<vmem>> -> memref<1x128xi32, #tpu.memory_space<vmem>>
        %dma_start3A_104 = tpu.memref_squeeze %dma_start3A_103 : memref<1x128xi32, #tpu.memory_space<vmem>> -> memref<128xi32, #tpu.memory_space<vmem>>
        %dma_start3A_105 = arith.constant 0 : i32
        %dma_start3A_106 = arith.constant 0 : i32
        %dma_start3A_107 = tpu.memref_slice %arg2[%dma_start3A_105, %dma_start3A_106] : memref<10240x128xf32, #tpu.memory_space<hbm>> -> memref<10240x128xf32, #tpu.memory_space<hbm>>
        tpu.enqueue_indirect_dma source(%dma_start3A_107 : memref<10240x128xf32, #tpu.memory_space<hbm>>) target(%arg7 : memref<128x128xf32, #tpu.memory_space<vmem>>) offsets(%dma_start3A_104 : memref<128xi32, #tpu.memory_space<vmem>>) semaphore(%arg11 : memref<!tpu.dma_semaphore, #tpu.memory_space<semaphore_mem>>)
      } else {
      }
      %add3A_90 = arith.constant 1 : i32
      %add3A_91 = arith.addi %mul3A_72, %add3A_90 : i32
      %dma_wait3A_92 = arith.constant 0 : i32
      %dma_wait3A_93 = tpu.memref_slice %arg5[%add3A_91, %dma_wait3A_92] : memref<160x128xi32, #tpu.memory_space<vmem>> -> memref<1x128xi32, #tpu.memory_space<vmem>>
      %dma_wait3A_94 = tpu.memref_squeeze %dma_wait3A_93 : memref<1x128xi32, #tpu.memory_space<vmem>> -> memref<128xi32, #tpu.memory_space<vmem>>
      %dma_wait3A_95 = arith.constant 0 : i32
      %dma_wait3A_96 = arith.constant 0 : i32
      %dma_wait3A_97 = tpu.memref_slice %arg2[%dma_wait3A_95, %dma_wait3A_96] : memref<10240x128xf32, #tpu.memory_space<hbm>> -> memref<10240x128xf32, #tpu.memory_space<hbm>>
      tpu.wait_indirect_dma semaphore(%arg11 : memref<!tpu.dma_semaphore, #tpu.memory_space<semaphore_mem>>) src(%dma_wait3A_97 : memref<10240x128xf32, #tpu.memory_space<hbm>>) dst(%arg8 : memref<128x128xf32, #tpu.memory_space<vmem>>)
      %add3A_98 = arith.constant 1 : i32
      %add3A_99 = arith.addi %mul3A_72, %add3A_98 : i32
      "tpu.region"() ({
        %run_scoped3A = tpu.sem_alloc : memref<!tpu.dma_semaphore, #tpu.memory_space<semaphore_mem>>
        %dma_start3A_100 = arith.constant 0 : i32
        %dma_start3A_101 = tpu.memref_slice %arg6[%add3A_99, %dma_start3A_100] : memref<160x128xi32, #tpu.memory_space<vmem>> -> memref<1x128xi32, #tpu.memory_space<vmem>>
        %dma_start3A_102 = tpu.memref_squeeze %dma_start3A_101 : memref<1x128xi32, #tpu.memory_space<vmem>> -> memref<128xi32, #tpu.memory_space<vmem>>
        %dma_start3A_103 = arith.constant 0 : i32
        %dma_start3A_104 = arith.constant 0 : i32
        %dma_start3A_105 = tpu.memref_slice %arg10[%dma_start3A_103, %dma_start3A_104] : memref<5128x128xf32, #tpu.memory_space<vmem_shared>> -> memref<5128x128xf32, #tpu.memory_space<vmem_shared>>
        tpu.enqueue_indirect_dma source(%arg8 : memref<128x128xf32, #tpu.memory_space<vmem>>) target(%dma_start3A_105 : memref<5128x128xf32, #tpu.memory_space<vmem_shared>>) offsets(%dma_start3A_102 : memref<128xi32, #tpu.memory_space<vmem>>) semaphore(%run_scoped3A : memref<!tpu.dma_semaphore, #tpu.memory_space<semaphore_mem>>) {add = true}
        %dma_wait3A_106 = arith.constant 0 : i32
        %dma_wait3A_107 = tpu.memref_slice %arg6[%add3A_99, %dma_wait3A_106] : memref<160x128xi32, #tpu.memory_space<vmem>> -> memref<1x128xi32, #tpu.memory_space<vmem>>
        %dma_wait3A_108 = tpu.memref_squeeze %dma_wait3A_107 : memref<1x128xi32, #tpu.memory_space<vmem>> -> memref<128xi32, #tpu.memory_space<vmem>>
        %dma_wait3A_109 = arith.constant 0 : i32
        %dma_wait3A_110 = arith.constant 0 : i32
        %dma_wait3A_111 = tpu.memref_slice %arg10[%dma_wait3A_109, %dma_wait3A_110] : memref<5128x128xf32, #tpu.memory_space<vmem_shared>> -> memref<5128x128xf32, #tpu.memory_space<vmem_shared>>
        tpu.wait_indirect_dma semaphore(%run_scoped3A : memref<!tpu.dma_semaphore, #tpu.memory_space<semaphore_mem>>) src(%arg8 : memref<128x128xf32, #tpu.memory_space<vmem>>) dst(%dma_wait3A_111 : memref<5128x128xf32, #tpu.memory_space<vmem_shared>>)
        tpu.yield
      }) : () -> ()
    }
    %scan3A_43 = arith.constant 80 : i32
    %barrier3A_44 = arith.constant 0 : index
    tpu.barrier barrier_id(%barrier3A_44)
    %add3A_45 = arith.constant 0 : i32
    %add3A_46 = arith.addi %mul3A_22, %add3A_45 : i32
    "tpu.region"() ({
      %run_scoped3A = tpu.sem_alloc : memref<!tpu.dma_semaphore, #tpu.memory_space<semaphore_mem>>
      %dma_start3A_70 = arith.constant 0 : i32
      %dma_start3A_71 = tpu.memref_slice %arg10[%add3A_46, %dma_start3A_70] : memref<5128x128xf32, #tpu.memory_space<vmem_shared>> -> memref<64x128xf32, #tpu.memory_space<vmem_shared>>
      %dma_start3A_72 = arith.constant 0 : i32
      %dma_start3A_73 = tpu.memref_slice %arg10[%add3A_46, %dma_start3A_72] : memref<5128x128xf32, #tpu.memory_space<vmem_shared>> -> memref<64x128xf32, #tpu.memory_space<vmem_shared>>
      tpu.enqueue_dma source(%dma_start3A_73 : memref<64x128xf32, #tpu.memory_space<vmem_shared>>) target(%arg9 : memref<64x128xf32, #tpu.memory_space<vmem>>) target_semaphore(%run_scoped3A : memref<!tpu.dma_semaphore, #tpu.memory_space<semaphore_mem>>)
      %dma_wait3A = arith.constant 0 : i32
      %dma_wait3A_74 = tpu.memref_slice %arg10[%add3A_46, %dma_wait3A] : memref<5128x128xf32, #tpu.memory_space<vmem_shared>> -> memref<64x128xf32, #tpu.memory_space<vmem_shared>>
      %dma_wait3A_75 = arith.constant 0 : i32
      %dma_wait3A_76 = tpu.memref_slice %arg10[%add3A_46, %dma_wait3A_75] : memref<5128x128xf32, #tpu.memory_space<vmem_shared>> -> memref<64x128xf32, #tpu.memory_space<vmem_shared>>
      tpu.wait_dma2 semaphore(%run_scoped3A : memref<!tpu.dma_semaphore, #tpu.memory_space<semaphore_mem>>) src(%dma_wait3A_76 : memref<64x128xf32, #tpu.memory_space<vmem_shared>>) dst(%arg9 : memref<64x128xf32, #tpu.memory_space<vmem>>)
      tpu.yield
    }) : () -> ()
    %mul3A_47 = arith.constant 5120 : i32
    %mul3A_48 = arith.muli %arg0, %mul3A_47 : i32
    %add3A_49 = arith.addi %mul3A_48, %add3A_46 : i32
    "tpu.region"() ({
      %run_scoped3A = tpu.sem_alloc : memref<!tpu.dma_semaphore, #tpu.memory_space<semaphore_mem>>
      %dma_start3A_70 = arith.constant 0 : i32
      %dma_start3A_71 = tpu.memref_slice %arg4[%add3A_49, %dma_start3A_70] : memref<10240x128xf32, #tpu.memory_space<hbm>> -> memref<64x128xf32, #tpu.memory_space<hbm>>
      %dma_start3A_72 = arith.constant 0 : i32
      %dma_start3A_73 = tpu.memref_slice %arg4[%add3A_49, %dma_start3A_72] : memref<10240x128xf32, #tpu.memory_space<hbm>> -> memref<64x128xf32, #tpu.memory_space<hbm>>
      tpu.enqueue_dma source(%arg9 : memref<64x128xf32, #tpu.memory_space<vmem>>) target(%dma_start3A_73 : memref<64x128xf32, #tpu.memory_space<hbm>>) target_semaphore(%run_scoped3A : memref<!tpu.dma_semaphore, #tpu.memory_space<semaphore_mem>>)
      %dma_wait3A = arith.constant 0 : i32
      %dma_wait3A_74 = tpu.memref_slice %arg4[%add3A_49, %dma_wait3A] : memref<10240x128xf32, #tpu.memory_space<hbm>> -> memref<64x128xf32, #tpu.memory_space<hbm>>
      %dma_wait3A_75 = arith.constant 0 : i32
      %dma_wait3A_76 = tpu.memref_slice %arg4[%add3A_49, %dma_wait3A_75] : memref<10240x128xf32, #tpu.memory_space<hbm>> -> memref<64x128xf32, #tpu.memory_space<hbm>>
      tpu.wait_dma2 semaphore(%run_scoped3A : memref<!tpu.dma_semaphore, #tpu.memory_space<semaphore_mem>>) src(%arg9 : memref<64x128xf32, #tpu.memory_space<vmem>>) dst(%dma_wait3A_76 : memref<64x128xf32, #tpu.memory_space<hbm>>)
      tpu.yield
    }) : () -> ()
    %add3A_50 = arith.constant 64 : i32
    %add3A_51 = arith.addi %mul3A_22, %add3A_50 : i32
    "tpu.region"() ({
      %run_scoped3A = tpu.sem_alloc : memref<!tpu.dma_semaphore, #tpu.memory_space<semaphore_mem>>
      %dma_start3A_70 = arith.constant 0 : i32
      %dma_start3A_71 = tpu.memref_slice %arg10[%add3A_51, %dma_start3A_70] : memref<5128x128xf32, #tpu.memory_space<vmem_shared>> -> memref<64x128xf32, #tpu.memory_space<vmem_shared>>
      %dma_start3A_72 = arith.constant 0 : i32
      %dma_start3A_73 = tpu.memref_slice %arg10[%add3A_51, %dma_start3A_72] : memref<5128x128xf32, #tpu.memory_space<vmem_shared>> -> memref<64x128xf32, #tpu.memory_space<vmem_shared>>
      tpu.enqueue_dma source(%dma_start3A_73 : memref<64x128xf32, #tpu.memory_space<vmem_shared>>) target(%arg9 : memref<64x128xf32, #tpu.memory_space<vmem>>) target_semaphore(%run_scoped3A : memref<!tpu.dma_semaphore, #tpu.memory_space<semaphore_mem>>)
      %dma_wait3A = arith.constant 0 : i32
      %dma_wait3A_74 = tpu.memref_slice %arg10[%add3A_51, %dma_wait3A] : memref<5128x128xf32, #tpu.memory_space<vmem_shared>> -> memref<64x128xf32, #tpu.memory_space<vmem_shared>>
      %dma_wait3A_75 = arith.constant 0 : i32
      %dma_wait3A_76 = tpu.memref_slice %arg10[%add3A_51, %dma_wait3A_75] : memref<5128x128xf32, #tpu.memory_space<vmem_shared>> -> memref<64x128xf32, #tpu.memory_space<vmem_shared>>
      tpu.wait_dma2 semaphore(%run_scoped3A : memref<!tpu.dma_semaphore, #tpu.memory_space<semaphore_mem>>) src(%dma_wait3A_76 : memref<64x128xf32, #tpu.memory_space<vmem_shared>>) dst(%arg9 : memref<64x128xf32, #tpu.memory_space<vmem>>)
      tpu.yield
    }) : () -> ()
    %mul3A_52 = arith.constant 5120 : i32
    %mul3A_53 = arith.muli %arg0, %mul3A_52 : i32
    %add3A_54 = arith.addi %mul3A_53, %add3A_51 : i32
    "tpu.region"() ({
      %run_scoped3A = tpu.sem_alloc : memref<!tpu.dma_semaphore, #tpu.memory_space<semaphore_mem>>
      %dma_start3A_70 = arith.constant 0 : i32
      %dma_start3A_71 = tpu.memref_slice %arg4[%add3A_54, %dma_start3A_70] : memref<10240x128xf32, #tpu.memory_space<hbm>> -> memref<64x128xf32, #tpu.memory_space<hbm>>
      %dma_start3A_72 = arith.constant 0 : i32
      %dma_start3A_73 = tpu.memref_slice %arg4[%add3A_54, %dma_start3A_72] : memref<10240x128xf32, #tpu.memory_space<hbm>> -> memref<64x128xf32, #tpu.memory_space<hbm>>
      tpu.enqueue_dma source(%arg9 : memref<64x128xf32, #tpu.memory_space<vmem>>) target(%dma_start3A_73 : memref<64x128xf32, #tpu.memory_space<hbm>>) target_semaphore(%run_scoped3A : memref<!tpu.dma_semaphore, #tpu.memory_space<semaphore_mem>>)
      %dma_wait3A = arith.constant 0 : i32
      %dma_wait3A_74 = tpu.memref_slice %arg4[%add3A_54, %dma_wait3A] : memref<10240x128xf32, #tpu.memory_space<hbm>> -> memref<64x128xf32, #tpu.memory_space<hbm>>
      %dma_wait3A_75 = arith.constant 0 : i32
      %dma_wait3A_76 = tpu.memref_slice %arg4[%add3A_54, %dma_wait3A_75] : memref<10240x128xf32, #tpu.memory_space<hbm>> -> memref<64x128xf32, #tpu.memory_space<hbm>>
      tpu.wait_dma2 semaphore(%run_scoped3A : memref<!tpu.dma_semaphore, #tpu.memory_space<semaphore_mem>>) src(%arg9 : memref<64x128xf32, #tpu.memory_space<vmem>>) dst(%dma_wait3A_76 : memref<64x128xf32, #tpu.memory_space<hbm>>)
      tpu.yield
    }) : () -> ()
    %add3A_55 = arith.constant 128 : i32
    %add3A_56 = arith.addi %mul3A_22, %add3A_55 : i32
    "tpu.region"() ({
      %run_scoped3A = tpu.sem_alloc : memref<!tpu.dma_semaphore, #tpu.memory_space<semaphore_mem>>
      %dma_start3A_70 = arith.constant 0 : i32
      %dma_start3A_71 = tpu.memref_slice %arg10[%add3A_56, %dma_start3A_70] : memref<5128x128xf32, #tpu.memory_space<vmem_shared>> -> memref<64x128xf32, #tpu.memory_space<vmem_shared>>
      %dma_start3A_72 = arith.constant 0 : i32
      %dma_start3A_73 = tpu.memref_slice %arg10[%add3A_56, %dma_start3A_72] : memref<5128x128xf32, #tpu.memory_space<vmem_shared>> -> memref<64x128xf32, #tpu.memory_space<vmem_shared>>
      tpu.enqueue_dma source(%dma_start3A_73 : memref<64x128xf32, #tpu.memory_space<vmem_shared>>) target(%arg9 : memref<64x128xf32, #tpu.memory_space<vmem>>) target_semaphore(%run_scoped3A : memref<!tpu.dma_semaphore, #tpu.memory_space<semaphore_mem>>)
      %dma_wait3A = arith.constant 0 : i32
      %dma_wait3A_74 = tpu.memref_slice %arg10[%add3A_56, %dma_wait3A] : memref<5128x128xf32, #tpu.memory_space<vmem_shared>> -> memref<64x128xf32, #tpu.memory_space<vmem_shared>>
      %dma_wait3A_75 = arith.constant 0 : i32
      %dma_wait3A_76 = tpu.memref_slice %arg10[%add3A_56, %dma_wait3A_75] : memref<5128x128xf32, #tpu.memory_space<vmem_shared>> -> memref<64x128xf32, #tpu.memory_space<vmem_shared>>
      tpu.wait_dma2 semaphore(%run_scoped3A : memref<!tpu.dma_semaphore, #tpu.memory_space<semaphore_mem>>) src(%dma_wait3A_76 : memref<64x128xf32, #tpu.memory_space<vmem_shared>>) dst(%arg9 : memref<64x128xf32, #tpu.memory_space<vmem>>)
      tpu.yield
    }) : () -> ()
    %mul3A_57 = arith.constant 5120 : i32
    %mul3A_58 = arith.muli %arg0, %mul3A_57 : i32
    %add3A_59 = arith.addi %mul3A_58, %add3A_56 : i32
    "tpu.region"() ({
      %run_scoped3A = tpu.sem_alloc : memref<!tpu.dma_semaphore, #tpu.memory_space<semaphore_mem>>
      %dma_start3A_70 = arith.constant 0 : i32
      %dma_start3A_71 = tpu.memref_slice %arg4[%add3A_59, %dma_start3A_70] : memref<10240x128xf32, #tpu.memory_space<hbm>> -> memref<64x128xf32, #tpu.memory_space<hbm>>
      %dma_start3A_72 = arith.constant 0 : i32
      %dma_start3A_73 = tpu.memref_slice %arg4[%add3A_59, %dma_start3A_72] : memref<10240x128xf32, #tpu.memory_space<hbm>> -> memref<64x128xf32, #tpu.memory_space<hbm>>
      tpu.enqueue_dma source(%arg9 : memref<64x128xf32, #tpu.memory_space<vmem>>) target(%dma_start3A_73 : memref<64x128xf32, #tpu.memory_space<hbm>>) target_semaphore(%run_scoped3A : memref<!tpu.dma_semaphore, #tpu.memory_space<semaphore_mem>>)
      %dma_wait3A = arith.constant 0 : i32
      %dma_wait3A_74 = tpu.memref_slice %arg4[%add3A_59, %dma_wait3A] : memref<10240x128xf32, #tpu.memory_space<hbm>> -> memref<64x128xf32, #tpu.memory_space<hbm>>
      %dma_wait3A_75 = arith.constant 0 : i32
      %dma_wait3A_76 = tpu.memref_slice %arg4[%add3A_59, %dma_wait3A_75] : memref<10240x128xf32, #tpu.memory_space<hbm>> -> memref<64x128xf32, #tpu.memory_space<hbm>>
      tpu.wait_dma2 semaphore(%run_scoped3A : memref<!tpu.dma_semaphore, #tpu.memory_space<semaphore_mem>>) src(%arg9 : memref<64x128xf32, #tpu.memory_space<vmem>>) dst(%dma_wait3A_76 : memref<64x128xf32, #tpu.memory_space<hbm>>)
      tpu.yield
    }) : () -> ()
    %add3A_60 = arith.constant 192 : i32
    %add3A_61 = arith.addi %mul3A_22, %add3A_60 : i32
    "tpu.region"() ({
      %run_scoped3A = tpu.sem_alloc : memref<!tpu.dma_semaphore, #tpu.memory_space<semaphore_mem>>
      %dma_start3A_70 = arith.constant 0 : i32
      %dma_start3A_71 = tpu.memref_slice %arg10[%add3A_61, %dma_start3A_70] : memref<5128x128xf32, #tpu.memory_space<vmem_shared>> -> memref<64x128xf32, #tpu.memory_space<vmem_shared>>
      %dma_start3A_72 = arith.constant 0 : i32
      %dma_start3A_73 = tpu.memref_slice %arg10[%add3A_61, %dma_start3A_72] : memref<5128x128xf32, #tpu.memory_space<vmem_shared>> -> memref<64x128xf32, #tpu.memory_space<vmem_shared>>
      tpu.enqueue_dma source(%dma_start3A_73 : memref<64x128xf32, #tpu.memory_space<vmem_shared>>) target(%arg9 : memref<64x128xf32, #tpu.memory_space<vmem>>) target_semaphore(%run_scoped3A : memref<!tpu.dma_semaphore, #tpu.memory_space<semaphore_mem>>)
      %dma_wait3A = arith.constant 0 : i32
      %dma_wait3A_74 = tpu.memref_slice %arg10[%add3A_61, %dma_wait3A] : memref<5128x128xf32, #tpu.memory_space<vmem_shared>> -> memref<64x128xf32, #tpu.memory_space<vmem_shared>>
      %dma_wait3A_75 = arith.constant 0 : i32
      %dma_wait3A_76 = tpu.memref_slice %arg10[%add3A_61, %dma_wait3A_75] : memref<5128x128xf32, #tpu.memory_space<vmem_shared>> -> memref<64x128xf32, #tpu.memory_space<vmem_shared>>
      tpu.wait_dma2 semaphore(%run_scoped3A : memref<!tpu.dma_semaphore, #tpu.memory_space<semaphore_mem>>) src(%dma_wait3A_76 : memref<64x128xf32, #tpu.memory_space<vmem_shared>>) dst(%arg9 : memref<64x128xf32, #tpu.memory_space<vmem>>)
      tpu.yield
    }) : () -> ()
    %mul3A_62 = arith.constant 5120 : i32
    %mul3A_63 = arith.muli %arg0, %mul3A_62 : i32
    %add3A_64 = arith.addi %mul3A_63, %add3A_61 : i32
    "tpu.region"() ({
      %run_scoped3A = tpu.sem_alloc : memref<!tpu.dma_semaphore, #tpu.memory_space<semaphore_mem>>
      %dma_start3A_70 = arith.constant 0 : i32
      %dma_start3A_71 = tpu.memref_slice %arg4[%add3A_64, %dma_start3A_70] : memref<10240x128xf32, #tpu.memory_space<hbm>> -> memref<64x128xf32, #tpu.memory_space<hbm>>
      %dma_start3A_72 = arith.constant 0 : i32
      %dma_start3A_73 = tpu.memref_slice %arg4[%add3A_64, %dma_start3A_72] : memref<10240x128xf32, #tpu.memory_space<hbm>> -> memref<64x128xf32, #tpu.memory_space<hbm>>
      tpu.enqueue_dma source(%arg9 : memref<64x128xf32, #tpu.memory_space<vmem>>) target(%dma_start3A_73 : memref<64x128xf32, #tpu.memory_space<hbm>>) target_semaphore(%run_scoped3A : memref<!tpu.dma_semaphore, #tpu.memory_space<semaphore_mem>>)
      %dma_wait3A = arith.constant 0 : i32
      %dma_wait3A_74 = tpu.memref_slice %arg4[%add3A_64, %dma_wait3A] : memref<10240x128xf32, #tpu.memory_space<hbm>> -> memref<64x128xf32, #tpu.memory_space<hbm>>
      %dma_wait3A_75 = arith.constant 0 : i32
      %dma_wait3A_76 = tpu.memref_slice %arg4[%add3A_64, %dma_wait3A_75] : memref<10240x128xf32, #tpu.memory_space<hbm>> -> memref<64x128xf32, #tpu.memory_space<hbm>>
      tpu.wait_dma2 semaphore(%run_scoped3A : memref<!tpu.dma_semaphore, #tpu.memory_space<semaphore_mem>>) src(%arg9 : memref<64x128xf32, #tpu.memory_space<vmem>>) dst(%dma_wait3A_76 : memref<64x128xf32, #tpu.memory_space<hbm>>)
      tpu.yield
    }) : () -> ()
    %add3A_65 = arith.constant 256 : i32
    %add3A_66 = arith.addi %mul3A_22, %add3A_65 : i32
    "tpu.region"() ({
      %run_scoped3A = tpu.sem_alloc : memref<!tpu.dma_semaphore, #tpu.memory_space<semaphore_mem>>
      %dma_start3A_70 = arith.constant 0 : i32
      %dma_start3A_71 = tpu.memref_slice %arg10[%add3A_66, %dma_start3A_70] : memref<5128x128xf32, #tpu.memory_space<vmem_shared>> -> memref<64x128xf32, #tpu.memory_space<vmem_shared>>
      %dma_start3A_72 = arith.constant 0 : i32
      %dma_start3A_73 = tpu.memref_slice %arg10[%add3A_66, %dma_start3A_72] : memref<5128x128xf32, #tpu.memory_space<vmem_shared>> -> memref<64x128xf32, #tpu.memory_space<vmem_shared>>
      tpu.enqueue_dma source(%dma_start3A_73 : memref<64x128xf32, #tpu.memory_space<vmem_shared>>) target(%arg9 : memref<64x128xf32, #tpu.memory_space<vmem>>) target_semaphore(%run_scoped3A : memref<!tpu.dma_semaphore, #tpu.memory_space<semaphore_mem>>)
      %dma_wait3A = arith.constant 0 : i32
      %dma_wait3A_74 = tpu.memref_slice %arg10[%add3A_66, %dma_wait3A] : memref<5128x128xf32, #tpu.memory_space<vmem_shared>> -> memref<64x128xf32, #tpu.memory_space<vmem_shared>>
      %dma_wait3A_75 = arith.constant 0 : i32
      %dma_wait3A_76 = tpu.memref_slice %arg10[%add3A_66, %dma_wait3A_75] : memref<5128x128xf32, #tpu.memory_space<vmem_shared>> -> memref<64x128xf32, #tpu.memory_space<vmem_shared>>
      tpu.wait_dma2 semaphore(%run_scoped3A : memref<!tpu.dma_semaphore, #tpu.memory_space<semaphore_mem>>) src(%dma_wait3A_76 : memref<64x128xf32, #tpu.memory_space<vmem_shared>>) dst(%arg9 : memref<64x128xf32, #tpu.memory_space<vmem>>)
      tpu.yield
    }) : () -> ()
    %mul3A_67 = arith.constant 5120 : i32
    %mul3A_68 = arith.muli %arg0, %mul3A_67 : i32
    %add3A_69 = arith.addi %mul3A_68, %add3A_66 : i32
    "tpu.region"() ({
      %run_scoped3A = tpu.sem_alloc : memref<!tpu.dma_semaphore, #tpu.memory_space<semaphore_mem>>
      %dma_start3A_70 = arith.constant 0 : i32
      %dma_start3A_71 = tpu.memref_slice %arg4[%add3A_69, %dma_start3A_70] : memref<10240x128xf32, #tpu.memory_space<hbm>> -> memref<64x128xf32, #tpu.memory_space<hbm>>
      %dma_start3A_72 = arith.constant 0 : i32
      %dma_start3A_73 = tpu.memref_slice %arg4[%add3A_69, %dma_start3A_72] : memref<10240x128xf32, #tpu.memory_space<hbm>> -> memref<64x128xf32, #tpu.memory_space<hbm>>
      tpu.enqueue_dma source(%arg9 : memref<64x128xf32, #tpu.memory_space<vmem>>) target(%dma_start3A_73 : memref<64x128xf32, #tpu.memory_space<hbm>>) target_semaphore(%run_scoped3A : memref<!tpu.dma_semaphore, #tpu.memory_space<semaphore_mem>>)
      %dma_wait3A = arith.constant 0 : i32
      %dma_wait3A_74 = tpu.memref_slice %arg4[%add3A_69, %dma_wait3A] : memref<10240x128xf32, #tpu.memory_space<hbm>> -> memref<64x128xf32, #tpu.memory_space<hbm>>
      %dma_wait3A_75 = arith.constant 0 : i32
      %dma_wait3A_76 = tpu.memref_slice %arg4[%add3A_69, %dma_wait3A_75] : memref<10240x128xf32, #tpu.memory_space<hbm>> -> memref<64x128xf32, #tpu.memory_space<hbm>>
      tpu.wait_dma2 semaphore(%run_scoped3A : memref<!tpu.dma_semaphore, #tpu.memory_space<semaphore_mem>>) src(%arg9 : memref<64x128xf32, #tpu.memory_space<vmem>>) dst(%dma_wait3A_76 : memref<64x128xf32, #tpu.memory_space<hbm>>)
      tpu.yield
    }) : () -> ()
    return
  }
}

module attributes {stable_mosaic.version = 14 : i64} {
  func.func @_tc_first_body(%arg0: i32, %arg1: memref<2x256xf32, #tpu.memory_space<vmem>>, %arg2: memref<256x128xf32, #tpu.memory_space<vmem>>, %arg3: memref<128x128xf32, #tpu.memory_space<vmem>>, %arg4: memref<256x128xf32, #tpu.memory_space<vmem>>, %arg5: memref<256x1xf32, #tpu.memory_space<vmem>>) attributes {dimension_semantics = [#tpu.dimension_semantics<arbitrary>], iteration_bounds = array<i64: 40>, scalar_prefetch = 0 : i64, scratch_operands = 0 : i64, tpu.core_type = #tpu.core_type<tc>, window_params = [{transform_indices = @transform_0, window_bounds = array<i64: 2, 256>}, {transform_indices = @transform_1, window_bounds = array<i64: 256, 128>}, {pipeline_mode = #tpu.pipeline_mode<synchronous>, transform_indices = @transform_2, window_bounds = array<i64: 128, 128>}, {transform_indices = @transform_3, window_bounds = array<i64: 256, 128>}, {transform_indices = @transform_4, window_bounds = array<i64: 256, 1>}]} {
    %get3A = arith.constant 0 : index
    %get3A_0 = arith.constant 0 : index
    %get3A_1 = vector.load %arg1[%get3A, %get3A_0] : memref<2x256xf32, #tpu.memory_space<vmem>>, vector<1x256xf32>
    %get3A_2 = vector.shape_cast %get3A_1 : vector<1x256xf32> to vector<256xf32>
    %get3A_3 = arith.constant 1 : index
    %get3A_4 = arith.constant 0 : index
    %get3A_5 = vector.load %arg1[%get3A_3, %get3A_4] : memref<2x256xf32, #tpu.memory_space<vmem>>, vector<1x256xf32>
    %get3A_6 = vector.shape_cast %get3A_5 : vector<1x256xf32> to vector<256xf32>
    %add3A = arith.addf %get3A_2, %get3A_6 : vector<256xf32>
    %add3A_7 = arith.constant 1.000000e+00 : f32
    %add3A_8 = vector.broadcast %add3A_7 : f32 to vector<256xf32>
    %add3A_9 = arith.addf %add3A, %add3A_8 : vector<256xf32>
    %rsqrt3A = math.rsqrt %add3A_9 : vector<256xf32>
    %get3A_10 = arith.constant 0 : index
    %get3A_11 = arith.constant 0 : index
    %get3A_12 = vector.load %arg2[%get3A_10, %get3A_11] : memref<256x128xf32, #tpu.memory_space<vmem>>, vector<256x128xf32>
    %get3A_13 = arith.constant 0 : index
    %get3A_14 = arith.constant 0 : index
    %get3A_15 = vector.load %arg3[%get3A_13, %get3A_14] : memref<128x128xf32, #tpu.memory_space<vmem>>, vector<128x128xf32>
    %dot_general3A = arith.constant dense<0.000000e+00> : vector<256x128xf32>
    %dot_general3A_16 = tpu.matmul %get3A_12, %get3A_15, %dot_general3A {dimension_numbers = #tpu.dot_dimension_numbers<[1], [0], [0], [1], [0, 0, 1, 1], [], []>, transpose_lhs_hint = false} : vector<256x128xf32>, vector<128x128xf32>, vector<256x128xf32> -> vector<256x128xf32>
    %broadcast_in_dim3A = vector.shape_cast %rsqrt3A : vector<256xf32> to vector<256x1xf32>
    %mul3A = vector.broadcast %broadcast_in_dim3A : vector<256x1xf32> to vector<256x128xf32>
    %mul3A_17 = arith.mulf %dot_general3A_16, %mul3A : vector<256x128xf32>
    %swap3A = arith.constant 0 : index
    %swap3A_18 = arith.constant 0 : index
    %swap3A_19 = vector.load %arg4[%swap3A, %swap3A_18] : memref<256x128xf32, #tpu.memory_space<vmem>>, vector<256x128xf32>
    tpu.vector_store %arg4[%swap3A, %swap3A_18], %mul3A_17 {strides = array<i32>} : memref<256x128xf32, #tpu.memory_space<vmem>>, vector<256x128xf32>,
    %broadcast_in_dim3A_20 = vector.shape_cast %rsqrt3A : vector<256xf32> to vector<256x1xf32>
    %swap3A_21 = arith.constant 0 : index
    %swap3A_22 = arith.constant 0 : index
    %swap3A_23 = vector.load %arg5[%swap3A_21, %swap3A_22] : memref<256x1xf32, #tpu.memory_space<vmem>>, vector<256x1xf32>
    tpu.vector_store %arg5[%swap3A_21, %swap3A_22], %broadcast_in_dim3A_20 {strides = array<i32>} : memref<256x1xf32, #tpu.memory_space<vmem>>, vector<256x1xf32>,
    return
  }
  func.func @transform_0(%arg0: i32) -> (i32, i32) {
    %c0_i32 = arith.constant 0 : i32
    %c0_i32_0 = arith.constant 0 : i32
    return %c0_i32, %arg0 : i32, i32
  }
  func.func @transform_1(%arg0: i32) -> (i32, i32) {
    %c0_i32 = arith.constant 0 : i32
    %c0_i32_0 = arith.constant 0 : i32
    return %arg0, %c0_i32 : i32, i32
  }
  func.func @transform_2(%arg0: i32) -> (i32, i32) {
    %c0_i32 = arith.constant 0 : i32
    %c0_i32_0 = arith.constant 0 : i32
    %c0_i32_1 = arith.constant 0 : i32
    return %c0_i32, %c0_i32_0 : i32, i32
  }
  func.func @transform_3(%arg0: i32) -> (i32, i32) {
    %c0_i32 = arith.constant 0 : i32
    %c0_i32_0 = arith.constant 0 : i32
    return %arg0, %c0_i32 : i32, i32
  }
  func.func @transform_4(%arg0: i32) -> (i32, i32) {
    %c0_i32 = arith.constant 0 : i32
    %c0_i32_0 = arith.constant 0 : i32
    return %arg0, %c0_i32 : i32, i32
  }
}

module attributes {stable_mosaic.version = 14 : i64} {
  func.func @_tc_mid_body(%arg0: i32, %arg1: memref<256x128xf32, #tpu.memory_space<vmem>>, %arg2: memref<256x128xf32, #tpu.memory_space<vmem>>, %arg3: memref<256x1xf32, #tpu.memory_space<vmem>>, %arg4: memref<1x128xf32, #tpu.memory_space<vmem>>, %arg5: memref<128x128xf32, #tpu.memory_space<vmem>>, %arg6: memref<256x128xf32, #tpu.memory_space<vmem>>) attributes {dimension_semantics = [#tpu.dimension_semantics<arbitrary>], iteration_bounds = array<i64: 40>, scalar_prefetch = 0 : i64, scratch_operands = 0 : i64, tpu.core_type = #tpu.core_type<tc>, window_params = [{transform_indices = @transform_0, window_bounds = array<i64: 256, 128>}, {transform_indices = @transform_1, window_bounds = array<i64: 256, 128>}, {transform_indices = @transform_2, window_bounds = array<i64: 256, 1>}, {pipeline_mode = #tpu.pipeline_mode<synchronous>, transform_indices = @transform_3, window_bounds = array<i64: 1, 128>}, {pipeline_mode = #tpu.pipeline_mode<synchronous>, transform_indices = @transform_4, window_bounds = array<i64: 128, 128>}, {transform_indices = @transform_5, window_bounds = array<i64: 256, 128>}]} {
    %get3A = arith.constant 0 : index
    %get3A_0 = arith.constant 0 : index
    %get3A_1 = vector.load %arg3[%get3A, %get3A_0] : memref<256x1xf32, #tpu.memory_space<vmem>>, vector<256x1xf32>
    %get3A_2 = arith.constant 0 : index
    %get3A_3 = arith.constant 0 : index
    %get3A_4 = vector.load %arg1[%get3A_2, %get3A_3] : memref<256x128xf32, #tpu.memory_space<vmem>>, vector<256x128xf32>
    %get3A_5 = arith.constant 0 : index
    %get3A_6 = arith.constant 0 : index
    %get3A_7 = vector.load %arg2[%get3A_5, %get3A_6] : memref<256x128xf32, #tpu.memory_space<vmem>>, vector<256x128xf32>
    %add3A = arith.addf %get3A_4, %get3A_7 : vector<256x128xf32>
    %mul3A = vector.broadcast %get3A_1 : vector<256x1xf32> to vector<256x128xf32>
    %mul3A_8 = arith.mulf %mul3A, %add3A : vector<256x128xf32>
    %get3A_9 = arith.constant 0 : index
    %get3A_10 = arith.constant 0 : index
    %get3A_11 = vector.load %arg4[%get3A_9, %get3A_10] : memref<1x128xf32, #tpu.memory_space<vmem>>, vector<1x128xf32>
    %add3A_12 = vector.broadcast %get3A_11 : vector<1x128xf32> to vector<256x128xf32>
    %add3A_13 = arith.addf %mul3A_8, %add3A_12 : vector<256x128xf32>
    %max3A = arith.constant 0.000000e+00 : f32
    %max3A_14 = vector.broadcast %max3A : f32 to vector<256x128xf32>
    %max3A_15 = arith.maximumf %add3A_13, %max3A_14 : vector<256x128xf32>
    %get3A_16 = arith.constant 0 : index
    %get3A_17 = arith.constant 0 : index
    %get3A_18 = vector.load %arg5[%get3A_16, %get3A_17] : memref<128x128xf32, #tpu.memory_space<vmem>>, vector<128x128xf32>
    %dot_general3A = arith.constant dense<0.000000e+00> : vector<256x128xf32>
    %dot_general3A_19 = tpu.matmul %max3A_15, %get3A_18, %dot_general3A {dimension_numbers = #tpu.dot_dimension_numbers<[1], [0], [0], [1], [0, 0, 1, 1], [], []>, transpose_lhs_hint = false} : vector<256x128xf32>, vector<128x128xf32>, vector<256x128xf32> -> vector<256x128xf32>
    %mul3A_20 = vector.broadcast %get3A_1 : vector<256x1xf32> to vector<256x128xf32>
    %mul3A_21 = arith.mulf %dot_general3A_19, %mul3A_20 : vector<256x128xf32>
    %swap3A = arith.constant 0 : index
    %swap3A_22 = arith.constant 0 : index
    %swap3A_23 = vector.load %arg6[%swap3A, %swap3A_22] : memref<256x128xf32, #tpu.memory_space<vmem>>, vector<256x128xf32>
    tpu.vector_store %arg6[%swap3A, %swap3A_22], %mul3A_21 {strides = array<i32>} : memref<256x128xf32, #tpu.memory_space<vmem>>, vector<256x128xf32>,
    return
  }
  func.func @transform_0(%arg0: i32) -> (i32, i32) {
    %c0_i32 = arith.constant 0 : i32
    %c0_i32_0 = arith.constant 0 : i32
    return %arg0, %c0_i32 : i32, i32
  }
  func.func @transform_1(%arg0: i32) -> (i32, i32) {
    %c0_i32 = arith.constant 0 : i32
    %c0_i32_0 = arith.constant 0 : i32
    return %arg0, %c0_i32 : i32, i32
  }
  func.func @transform_2(%arg0: i32) -> (i32, i32) {
    %c0_i32 = arith.constant 0 : i32
    %c0_i32_0 = arith.constant 0 : i32
    return %arg0, %c0_i32 : i32, i32
  }
  func.func @transform_3(%arg0: i32) -> (i32, i32) {
    %c0_i32 = arith.constant 0 : i32
    %c0_i32_0 = arith.constant 0 : i32
    %c0_i32_1 = arith.constant 0 : i32
    return %c0_i32, %c0_i32_0 : i32, i32
  }
  func.func @transform_4(%arg0: i32) -> (i32, i32) {
    %c0_i32 = arith.constant 0 : i32
    %c0_i32_0 = arith.constant 0 : i32
    %c0_i32_1 = arith.constant 0 : i32
    return %c0_i32, %c0_i32_0 : i32, i32
  }
  func.func @transform_5(%arg0: i32) -> (i32, i32) {
    %c0_i32 = arith.constant 0 : i32
    %c0_i32_0 = arith.constant 0 : i32
    return %arg0, %c0_i32 : i32, i32
  }
}

module attributes {stable_mosaic.version = 14 : i64} {
  func.func @_tc_out_body(%arg0: i32, %arg1: memref<256x128xf32, #tpu.memory_space<vmem>>, %arg2: memref<256x128xf32, #tpu.memory_space<vmem>>, %arg3: memref<256x1xf32, #tpu.memory_space<vmem>>, %arg4: memref<1x128xf32, #tpu.memory_space<vmem>>, %arg5: memref<256x128xf32, #tpu.memory_space<vmem>>) attributes {dimension_semantics = [#tpu.dimension_semantics<arbitrary>], iteration_bounds = array<i64: 40>, scalar_prefetch = 0 : i64, scratch_operands = 0 : i64, tpu.core_type = #tpu.core_type<tc>, window_params = [{transform_indices = @transform_0, window_bounds = array<i64: 256, 128>}, {transform_indices = @transform_1, window_bounds = array<i64: 256, 128>}, {transform_indices = @transform_2, window_bounds = array<i64: 256, 1>}, {pipeline_mode = #tpu.pipeline_mode<synchronous>, transform_indices = @transform_3, window_bounds = array<i64: 1, 128>}, {transform_indices = @transform_4, window_bounds = array<i64: 256, 128>}]} {
    %get3A = arith.constant 0 : index
    %get3A_0 = arith.constant 0 : index
    %get3A_1 = vector.load %arg3[%get3A, %get3A_0] : memref<256x1xf32, #tpu.memory_space<vmem>>, vector<256x1xf32>
    %get3A_2 = arith.constant 0 : index
    %get3A_3 = arith.constant 0 : index
    %get3A_4 = vector.load %arg1[%get3A_2, %get3A_3] : memref<256x128xf32, #tpu.memory_space<vmem>>, vector<256x128xf32>
    %get3A_5 = arith.constant 0 : index
    %get3A_6 = arith.constant 0 : index
    %get3A_7 = vector.load %arg2[%get3A_5, %get3A_6] : memref<256x128xf32, #tpu.memory_space<vmem>>, vector<256x128xf32>
    %add3A = arith.addf %get3A_4, %get3A_7 : vector<256x128xf32>
    %mul3A = vector.broadcast %get3A_1 : vector<256x1xf32> to vector<256x128xf32>
    %mul3A_8 = arith.mulf %mul3A, %add3A : vector<256x128xf32>
    %get3A_9 = arith.constant 0 : index
    %get3A_10 = arith.constant 0 : index
    %get3A_11 = vector.load %arg4[%get3A_9, %get3A_10] : memref<1x128xf32, #tpu.memory_space<vmem>>, vector<1x128xf32>
    %add3A_12 = vector.broadcast %get3A_11 : vector<1x128xf32> to vector<256x128xf32>
    %add3A_13 = arith.addf %mul3A_8, %add3A_12 : vector<256x128xf32>
    %swap3A = arith.constant 0 : index
    %swap3A_14 = arith.constant 0 : index
    %swap3A_15 = vector.load %arg5[%swap3A, %swap3A_14] : memref<256x128xf32, #tpu.memory_space<vmem>>, vector<256x128xf32>
    tpu.vector_store %arg5[%swap3A, %swap3A_14], %add3A_13 {strides = array<i32>} : memref<256x128xf32, #tpu.memory_space<vmem>>, vector<256x128xf32>,
    return
  }
  func.func @transform_0(%arg0: i32) -> (i32, i32) {
    %c0_i32 = arith.constant 0 : i32
    %c0_i32_0 = arith.constant 0 : i32
    return %arg0, %c0_i32 : i32, i32
  }
  func.func @transform_1(%arg0: i32) -> (i32, i32) {
    %c0_i32 = arith.constant 0 : i32
    %c0_i32_0 = arith.constant 0 : i32
    return %arg0, %c0_i32 : i32, i32
  }
  func.func @transform_2(%arg0: i32) -> (i32, i32) {
    %c0_i32 = arith.constant 0 : i32
    %c0_i32_0 = arith.constant 0 : i32
    return %arg0, %c0_i32 : i32, i32
  }
  func.func @transform_3(%arg0: i32) -> (i32, i32) {
    %c0_i32 = arith.constant 0 : i32
    %c0_i32_0 = arith.constant 0 : i32
    %c0_i32_1 = arith.constant 0 : i32
    return %c0_i32, %c0_i32_0 : i32, i32
  }
  func.func @transform_4(%arg0: i32) -> (i32, i32) {
    %c0_i32 = arith.constant 0 : i32
    %c0_i32_0 = arith.constant 0 : i32
    return %arg0, %c0_i32 : i32, i32
  }
}

</mosaic_0001>

<sc_bundles>
// kernel: kernel.11.cloned.1.call-start
scs
__scs_entry_jumppad:
0x0: {  	(pc) =	sbr.rel $0x88, $3  }
0x1: {  	(tag) =	ssettag $0x0;
	lr =	simm.s32 $0x1  }
0x2: {  	[smem:$0x3F9B] =	sst lr;
	_ =	strace $0xD0000000  }
0x3: {  	_ = 	snop  }
0x4: {  	_ = 	snop  }
0x5: {  	_ = 	snop  }
0x6: {  	_ = 	snop  }
0x7: {  	_ = 	snop  }
__scs_overlays_trampoline_lowered:
0x8: {  	[smem:$0x3FAA] =	sst s0  }
0x9: {  	[smem:$0x3FAB] =	sst s1  }
0xa: {  	[smem:$0x3FAC] =	sst s2  }
0xb: {  	[smem:$0x3FAD] =	sst s3  }
0xc: {  	[smem:$0x3FAE] =	sst s4  }
0xd: {  	[smem:$0x3FAF] =	sst s5  }
0xe: {  	[smem:$0x3FB0] =	sst s6  }
0xf: {  	[smem:$0x3FB1] =	sst s7  }
0x10: {  	[smem:$0x3FB2] =	sst s8  }
0x11: {  	[smem:$0x3FB3] =	sst s9;
	s0 =	simm.s32 @!p0 $0x0  }
0x12: {  	s1 =	sld [smem:$0x3F99];
	s0 =	simm.s32 @p0 $0x1  }
0x13: {  	[smem:$0x3FB4] =	sst s0;
	s0 =	simm.s32 @!p1 $0x0  }
0x14: {  	s2 =	sld [smem:$0x3F98];
	s0 =	simm.s32 @p1 $0x1  }
0x15: {  	[smem:$0x3FB5] =	sst s0;
	s0 =	simm.s32 @!p2 $0x0  }
0x16: {  	s3 =	sld [smem:$0x3FDB];
	s0 =	simm.s32 @p2 $0x1  }
0x17: {  	s4 =	simm.s32 $0x1BF5;
	[smem:$0x3FB7] =	sst s0  }
0x18: {  	s0 =	sld [smem:$0x3F9A];
	_ =	swait.ge [sflag:s4], $0x0  }
0x19: {  	s7 =	sld [smem:$0x3F9B]  }
0x1a: {  	s8 =	sadd.s32 $0xFFFFE003, lr  }
0x1b: {  	s9 =	sadd.s32 $0xFFFFFEF7, lr;
	s5 =	simm.s32 $0xFFFFFFFF;
	p2 =	slt.u32 s8, $0xFFFFF086  }
0x1c: {  	p1 =	slt.u32 s9, $0xF7A;
	s5 =	simm.s32 @!p2 $0x0  }
0x1d: {  	s5 =	simm.s32 @p1 $0x1;
	p0 =	seq.s32 s7, s2  }
0x1e: {  	s7 =	smul.u32 @!p0 $0xF7A, s2;
	p2 =	seq.s32 @!p0 s5, $0x0  }
0x1f: {  	s9 =	smul.u32 $0xF7A, s1;
	s8 =	simm.s32 @!p0 $0x1BF5;
	p2 =	por !p2, p0  }
0x20: {  	[sflag:s8] =	ssyncset.s32 @!p0 $0xFFFFF086;
	s6 =	sadd.s32 @!p0 s3, s7;
	s7 =	simm.s32 @!p0 $0x108  }
0x21: {  	s3 =	sadd.s32 s3, s9;
	s6 =	sadd.s32 @!p0 $0x88, s6;
	s7 =	simm.s32 @p2 $0x1082  }
0x22: {  	[simem:s7], [sflag:s8] =	dma.local @!p0 [hbm:s6], $0xF7A  }
0x23: {  	s9 =	sor.u32 $0xD0000000, s2;
	s6 =	simm.s32 $0x108;
	_ =	swait.ge @!p0 [sflag:s8], $0x0  }
0x24: {  	s3 =	sadd.s32 $0x88, s3;
	s6 =	simm.s32 @!p1 $0x1082;
	[sflag:s4] =	ssyncset.s32 $0xFFFFF086  }
0x25: {  	[simem:s6], [sflag:s4] =	dma.local [hbm:s3], $0xF7A  }
0x26: {  	[smem:$0x3F9B] =	sst s1;
	(tag) =	ssettag s2;
	_ =	strace s9  }
0x27: {  	s1 =	sld [smem:$0x3FAB]  }
0x28: {  	s2 =	sld [smem:$0x3FAC]  }
0x29: {  	s4 =	sld [smem:$0x3FAE]  }
0x2a: {  	p0 =	seq.s32 s5, $0x0;
	s5 =	sld [smem:$0x3FAF]  }
0x2b: {  	s6 =	sld [smem:$0x3FB0]  }
0x2c: {  	s7 =	sld [smem:$0x3FB1]  }
0x2d: {  	s3 =	simm.s32 $0x108;
	s8 =	sld [smem:$0x3FB2]  }
0x2e: {  	s3 =	simm.s32 @!p0 $0x1082;
	s9 =	sld [smem:$0x3FB3]  }
0x2f: {  	lr =	sadd.s32 s0, s3;
	s0 =	sld [smem:$0x3FAA]  }
0x30: {  	s3 =	sld [smem:$0x3FAD]  }
0x31: {  	[smem:$0x3FB6] =	sst s10  }
0x32: {  	s10 =	sld [smem:$0x3FB4];
	_ =	sdelay $0x3  }
0x33: {  	p0 =	seq.s32 s10, $0x1;
	s10 =	sld [smem:$0x3FB6];
	_ =	sdelay $0x3  }
0x34: {  	[smem:$0x3FB6] =	sst s10  }
0x35: {  	s10 =	sld [smem:$0x3FB5];
	_ =	sdelay $0x3  }
0x36: {  	p1 =	seq.s32 s10, $0x1;
	s10 =	sld [smem:$0x3FB6];
	_ =	sdelay $0x3  }
0x37: {  	[smem:$0x3FB6] =	sst s10  }
0x38: {  	s10 =	sld [smem:$0x3FB7]  }
0x39: {  	_ = 	snop;
	(pc) =	sbr.ind lr, $3  }
0x3a: {  	_ = 	snop  }
0x3b: {  	_ = 	snop  }
0x3c: {  	p2 =	seq.s32 s10, $0x1;
	s10 =	sld [smem:$0x3FB6]  }
0x3d: {  	_ =	shalt  }
0x3e: {  	_ =	shalt  }
0x3f: {  	_ =	shalt  }
0x40: {  	_ =	shalt  }
0x41: {  	_ =	shalt  }
0x42: {  	_ =	shalt  }
0x43: {  	_ =	shalt  }
0x44: {  	_ =	shalt  }
0x45: {  	_ =	shalt  }
0x46: {  	_ =	shalt  }
0x47: {  	_ =	shalt  }
0x48: {  	_ =	shalt  }
0x49: {  	_ =	shalt  }
0x4a: {  	_ =	shalt  }
0x4b: {  	_ =	shalt  }
0x4c: {  	_ =	shalt  }
0x4d: {  	_ =	shalt  }
0x4e: {  	_ =	shalt  }
0x4f: {  	_ =	shalt  }
0x50: {  	_ =	shalt  }
0x51: {  	_ =	shalt  }
0x52: {  	_ =	shalt  }
0x53: {  	_ =	shalt  }
0x54: {  	_ =	shalt  }
0x55: {  	_ =	shalt  }
0x56: {  	_ =	shalt  }
0x57: {  	_ =	shalt  }
0x58: {  	_ =	shalt  }
0x59: {  	_ =	shalt  }
0x5a: {  	_ =	shalt  }
0x5b: {  	_ =	shalt  }
0x5c: {  	_ =	shalt  }
0x5d: {  	_ =	shalt  }
0x5e: {  	_ =	shalt  }
0x5f: {  	_ =	shalt  }
0x60: {  	_ =	shalt  }
0x61: {  	_ =	shalt  }
0x62: {  	_ =	shalt  }
0x63: {  	_ =	shalt  }
0x64: {  	_ =	shalt  }
0x65: {  	_ =	shalt  }
0x66: {  	_ =	shalt  }
0x67: {  	_ =	shalt  }
0x68: {  	_ =	shalt  }
0x69: {  	_ =	shalt  }
0x6a: {  	_ =	shalt  }
0x6b: {  	_ =	shalt  }
0x6c: {  	_ =	shalt  }
0x6d: {  	_ =	shalt  }
0x6e: {  	_ =	shalt  }
0x6f: {  	_ =	shalt  }
0x70: {  	_ =	shalt  }
0x71: {  	_ =	shalt  }
0x72: {  	_ =	shalt  }
0x73: {  	_ =	shalt  }
0x74: {  	_ =	shalt  }
0x75: {  	_ =	shalt  }
0x76: {  	_ =	shalt  }
0x77: {  	_ =	shalt  }
0x78: {  	_ =	shalt  }
0x79: {  	_ =	shalt  }
0x7a: {  	_ =	shalt  }
0x7b: {  	_ =	shalt  }
0x7c: {  	_ =	shalt  }
0x7d: {  	_ =	shalt  }
0x7e: {  	_ =	shalt  }
0x7f: {  	_ =	shalt  }
0x80: {  	_ =	shalt  }
0x81: {  	_ =	shalt  }
0x82: {  	_ =	shalt  }
0x83: {  	_ =	shalt  }
0x84: {  	_ =	shalt  }
0x85: {  	_ =	shalt  }
0x86: {  	_ =	shalt  }
0x87: {  	_ =	shalt  }
.Lfunc_end0:
.L_simem_size_0:
called_computation.1_lowered:
.L_overlay_start_0:
0x88: {  	s2 =	sld [smem:$0x3FD9]  }
0x89: {  	s3 =	sld [smem:$0x3FFE];
	_ =	sdelay $0x1  }
0x8a: {  	s1 =	srdreg.scid  }
0x8b: {  	s0 =	sand.u32 $0x1, s1  }
0x8c: {  	s17 =	sshll.u32 s0, $0xA;
	s2 =	sadd.s32 s3, s2  }
0x8d: {  	s2 =	sadd.s32 s2, s17  }
0x8e: {  	[smem:$0x3FC2] =	sst s2  }
0x8f: {  	_ = 	snop  }
0x90: {  	s2 =	sld [smem:$0x3FD0];
	(tm) =	ssettm $0x1  }
0x91: {  	s18 =	sld [smem:$0x3FFB];
	_ =	sdelay $0x3  }
0x92: {  	_ =	strace s18  }
0x93: {  	s3 =	sld [smem:$0x3FFC];
	_ =	sdelay $0x3  }
0x94: {  	_ =	strace s3  }
0x95: {  	s3 =	sld [smem:$0x3FFD];
	_ =	sdelay $0x3  }
0x96: {  	_ =	strace s3  }
0x97: {  	_ =	strace $0x8FFFFFFF  }
0x98: {  	s19 =	sld [smem:$0x3FDB];
	_ =	sdelay $0x1  }
0x99: {  	s4 =	simm.s32 $_scs_section_size  }
0x9a: {  	s5 =	simm.s32 $_size__tile_overlayer_lowered;
	s6 =	simm.s32 $_tile_overlayer_lowered  }
0x9b: {  	s22 =	simm.s32 $0x1BFF;
	s21 =	sshll.u32 s6, $0x1;
	s3 =	sadd.s32 s4, s19  }
0x9c: {  	s7 =	simm.s32 $0x0;
	s20 =	sshll.u32 s5, $0x1;
	s5 =	sadd.s32 s21, s3  }
0x9d: {  	[timem:s7], [sflag:s22] =	dma.local [hbm:s5], s20  }
0x9e: {  	_ =	swait.ge [sflag:s22], s20  }
0x9f: {  	s4 =	ssub.s32 $0x0, s20;
	[sflag:s22] =	ssyncset.done $0x0  }
0xa0: {  	[sflag:s22] =	ssyncadd.s32 s4;
	_ =	sdelay $0x1  }
0xa1: {  	s23 =	simm.s32 $0x1B8B  }
0xa2: {  	_ =	swait.ge [sflag:s23], $0x1  }
0xa3: {  	[sflag:s23] =	ssyncset.done $0x0  }
0xa4: {  	s25 =	simm.s32 $0x1B8E;
	s24 =	sld [smem:$0x3FFE];
	[sflag:s23] =	ssyncadd.s32 $0xFFFFFFFF  }
0xa5: {  	s26 =	simm.s32 $execute0_lowered;
	[smem:$0x3FD2] =	sst s25  }
0xa6: {  	s5 =	sshll.u32 s26, $0x1;
	_ =	strace $0x80000049;
	[dreg:$0x1] =	wrdreg $0xFFFFFFFF  }
0xa7: {  	s28 =	simm.s32 $_size_execute0_lowered;
	s3 =	sadd.s32 s3, s5;
	[dreg:$0x0] =	wrdreg $0x0  }
0xa8: {  	s5 =	sshll.u32 s28, $0x1;
	[dreg:$0x2] =	wrdreg s3  }
0xa9: {  	[dreg:$0x3] =	wrdreg s5  }
0xaa: {  	[dreg:$0x4] =	wrdreg $0xC0  }
0xab: {  	_ =	task [dreg:s7], $0x5FFFF  }
0xac: {  	[dreg:$0x1] =	wrdreg $0xFFFFFFFF  }
0xad: {  	[dreg:$0x0] =	wrdreg $0x60  }
0xae: {  	[dreg:$0x2] =	wrdreg s24  }
0xaf: {  	[dreg:$0x3] =	wrdreg s2  }
0xb0: {  	[dreg:$0x4] =	wrdreg $0x140000  }
0xb1: {  	[dreg:$0x5] =	wrdreg $0x9  }
0xb2: {  	_ =	task.clear_ibuf [dreg:s7], $0x6FFFF;
	_ =	strace $0x90000049  }
0xb3: {  	s29 =	simm.s32 $0x9;
	_ =	strace $0x8000004B  }
0xb4: {  	_ =	swait.ge [sflag:s29], $0x1  }
0xb5: {  	[sflag:s29] =	ssyncadd.s32 $0xFFFFFFFF  }
0xb6: {  	_ =	strace $0x9000004B  }
0xb7: {  	_ =	sfence  }
0xb8: {  	s30 =	sld [smem:$0x0];
	_ =	sdelay $0x2  }
0xb9: {  	s31 =	sshll.u32 s1, $0xD;
	s1 =	sshrl.u32 s1, $0x2  }
0xba: {  	s3 =	sand.u32 $0x4000, s31;
	s1 =	sadd.s32 s1, s30  }
0xbb: {  	s0 =	sor.u32 s3, s0;
	s1 =	sshll.u32 s1, $0x11  }
0xbc: {  	s0 =	sor.u32 s1, s0  }
0xbd: {  	s0 =	sadd.s32 $0x8F2B, s0  }
0xbe: {  	[sflag:s0] =	ssyncadd.remote.s32 $0x1  }
0xbf: {  	_ =	sfence.sel $0xFFFF  }
0xc0: {  	[dreg:$0x0] =	wrdreg $0xFFFFFFFF;
	(pc) =	sbr.abs _section_cstart, $3  }
0xc1: {  	[dreg:$0x1] =	wrdreg $0xFFFFFFFF  }
0xc2: {  	_ =	task.clear_ibuf [dreg:s7], $0x2FFFF;
	_ =	strace $0x9FFFFFFF  }
0xc3: {  	(tm) =	ssettm $0x7FFFFFFF  }
tec
execute0_lowered:
.L_overlay_start_1:
0x0: {  	(tag) =	ssettag $0x1  }
0x1: {  	s5 =	rddreg [dreg:$0x0]  }
0x2: {  	s6 =	rddreg [dreg:$0x1]  }
0x3: {  	s1 =	rddreg [dreg:$0x2];
	s3 =	simm.s32 $0x0;
	s4 =	srdreg.scid  }
0x4: {  	s2 =	stileid.u32;
	s20 =	simm.s32 $0xA000;
	s21 =	simm.s32 $0xE000  }
0x5: {  	s22 =	simm.s32 $0x1;
	[smem:$0x7FF] =	sst s3;
	s9 =	smul.u32 $0xA00, s2  }
0x6: {  	s7 =	sand.u32 $0x1, s4;
	s4 =	sadd.s32 $0x2600, s5;
	s11 =	smul.u32 $0x28000, s2  }
0x7: {  	s15 =	sadd.s32 $0x2A600, s5;
	s23 =	smul.u32 $0x140, s2;
	s8 =	ssub.s32 $0x2, s7  }
0x8: {  	_ =	strace $0x8000004A;
	s24 =	smul.u32 $0x1400, s7;
	s10 =	sshrl.u32 s8, $0x1  }
0x9: {  	s5 =	sadd.s32 s6, s9;
	s25 =	sshrl.u32 s11, $0x2;
	s26 =	sadd.s32 $0x40, s23  }
0xa: {  	s13 =	sadd.s32 $0x80, s23;
	s14 =	sadd.s32 $0xC0, s23;
	s17 =	sadd.s32 $0x100, s23  }
0xb: {  	s16 =	ssub.s32 s8, s10;
	s6 =	sadd.s32 s25, s1;
	s28 =	sshll.u32 s26, $0x7  }
0xc: {  	s29 =	sshll.u32 s13, $0x7;
	s30 =	sshll.u32 s14, $0x7;
	s10 =	sadd.s32 s23, s24  }
0xd: {  	s12 =	sshll.u32 s17, $0x7;
	s19 =	sadd.s32 s24, s26;
	s13 =	sadd.s32 s24, s13  }
0xe: {  	s14 =	sadd.s32 s24, s14;
	s17 =	sadd.s32 s24, s17;
	s23 =	simm.s32 $0x4F80  }
0xf: {  	v0 =	vmov s24;
	s24 =	simm.s32 $0x9F00;
	s25 =	simm.s32 $0x9F80;
	s26 =	simm.s32 $0x0  }
0x10: {  	s7 =	sadd.s32 s28, s1;
	s8 =	sadd.s32 s29, s1;
	s9 =	sadd.s32 s30, s1  }
0x11: {  	s18 =	sshll.u32 s10, $0x4;
	s10 =	sadd.s32 s12, s1;
	s31 =	sshll.u32 s19, $0x4  }
0x12: {  	s13 =	sshll.u32 s13, $0x4;
	s14 =	sshll.u32 s14, $0x4;
	s17 =	sshll.u32 s17, $0x4  }
0x13: {  	s16 =	smax.u32 s16, $0x1;
	s19 =	simm.s32 $0x80;
	s11 =	sadd.s32 s15, s18  }
0x14: {  	s12 =	sadd.s32 s15, s31;
	s13 =	sadd.s32 s15, s13;
	s14 =	sadd.s32 s15, s14  }
0x15: {  	v1 =	vimm.f32 $0.0e+00;
	s15 =	sadd.s32 s15, s17;
	s17 =	simm.s32 $0x2;
	s18 =	simm.s32 $0x12000  }
.LBB2_1:
0x16: {  	[tilespmem:s3], [sflag:$0x2] =	stream.linear.gather [hbm4b:s5+s3], $0x5000, $0x38;
	[tilespmem:$0x1E040] =	vst v63  }
0x17: {  	_ =	swait.ge [sflag:s17], $0x5000  }
0x18: {  	[sflag:s17] =	ssyncset.done $0x0  }
0x19: {  	s28 =	simm.s32 $0x0;
	s29 =	simm.s32 $0x40;
	[sflag:s17] =	ssyncadd.s32 $0xFFFFB000  }
.LBB2_2:
0x1a: {  	p0 =	sne.s32 s29, $0x13FC0;
	v2 =	vld [tilespmem:s28+$0x0];
	_ =	sdelay $0x4  }
.Ltmp0:
0x1b: {  	v3 =	vand.u32 $0x3FFF, v2;
	(pc) =	sbr.rel @p0 .LBB2_2-.Ltmp0, $4  }
0x1c: {  	v3 =	vsub.s32 v3, v0  }
0x1d: {  	v2 =	vshrl.u32 v2, $0xE;
	vm0 =	vlt.u32 v3, $0x1400;
	v3 =	vmin.u32 v3, $0x1400  }
0x1e: {  	v2 =	vnsel vm0, $0x27FF, v2;
	[tilespmem:s28+$0x5000] =	vst v3  }
0x1f: {  	[tilespmem:s28+$0x0] =	vst v2;
	s28 =	sshra.s32 s29, $0x2;
	s29 =	sadd.s32 $0x40, s29  }
0x20: {  	v2 =	vld [tilespmem:s28+$0x0];
	_ =	sdelay $0x4  }
0x21: {  	v3 =	vand.u32 $0x3FFF, v2  }
0x22: {  	v3 =	vsub.s32 v3, v0  }
0x23: {  	v2 =	vshrl.u32 v2, $0xE;
	vm0 =	vlt.u32 v3, $0x1400;
	v3 =	vmin.u32 v3, $0x1400  }
0x24: {  	v2 =	vnsel vm0, $0x27FF, v2;
	[tilespmem:s28+$0x5000] =	vst v3  }
0x25: {  	s29 =	simm.s32 $0x200;
	[tilespmem:s28+$0x0] =	vst v2;
	s28 =	simm.s32 $0x0  }
.LBB2_4:
0x26: {  	p0 =	sne.s32 s29, $0x7E00;
	[tilespmem:s28+$0x12070] =	vst v1  }
0x27: {  	[tilespmem:s28+$0x12000] =	vst v1  }
0x28: {  	[tilespmem:s28+$0x12010] =	vst v1  }
.Ltmp1:
0x29: {  	[tilespmem:s28+$0x12020] =	vst v1;
	(pc) =	sbr.rel @p0 .LBB2_4-.Ltmp1, $4  }
0x2a: {  	[tilespmem:s28+$0x12030] =	vst v1  }
0x2b: {  	[tilespmem:s28+$0x12040] =	vst v1  }
0x2c: {  	[tilespmem:s28+$0x12050] =	vst v1  }
0x2d: {  	[tilespmem:s28+$0x12060] =	vst v1;
	s28 =	sshra.s32 s29, $0x2;
	s29 =	sadd.s32 $0x200, s29  }
0x2e: {  	[tilespmem:s28+$0x12070] =	vst v1  }
0x2f: {  	[tilespmem:s28+$0x12000] =	vst v1  }
0x30: {  	[tilespmem:s28+$0x12010] =	vst v1  }
0x31: {  	[tilespmem:s28+$0x12020] =	vst v1  }
0x32: {  	[tilespmem:s28+$0x12030] =	vst v1  }
0x33: {  	[tilespmem:s28+$0x12040] =	vst v1  }
0x34: {  	[tilespmem:s28+$0x12050] =	vst v1  }
0x35: {  	[tilespmem:s28+$0x12060] =	vst v1  }
0x36: {  	[spmem:s6] =	stream.linear.scatter [tilespmem:s18], [sflag:$0x2], $0x2000, $0x38;
	[tilespmem:$0x1E040] =	vst v63  }
0x37: {  	_ =	swait.ge [sflag:s17], $0x2000  }
0x38: {  	[sflag:s17] =	ssyncset.done $0x0  }
0x39: {  	[sflag:s17] =	ssyncadd.s32 $0xFFFFE000  }
0x3a: {  	[spmem:s7] =	stream.linear.scatter [tilespmem:s18], [sflag:$0x2], $0x2000, $0x38;
	[tilespmem:$0x1E040] =	vst v63  }
0x3b: {  	_ =	swait.ge [sflag:s17], $0x2000  }
0x3c: {  	[sflag:s17] =	ssyncset.done $0x0  }
0x3d: {  	[sflag:s17] =	ssyncadd.s32 $0xFFFFE000  }
0x3e: {  	[spmem:s8] =	stream.linear.scatter [tilespmem:s18], [sflag:$0x2], $0x2000, $0x38;
	[tilespmem:$0x1E040] =	vst v63  }
0x3f: {  	_ =	swait.ge [sflag:s17], $0x2000  }
0x40: {  	[sflag:s17] =	ssyncset.done $0x0  }
0x41: {  	[sflag:s17] =	ssyncadd.s32 $0xFFFFE000  }
0x42: {  	[spmem:s9] =	stream.linear.scatter [tilespmem:s18], [sflag:$0x2], $0x2000, $0x38;
	[tilespmem:$0x1E040] =	vst v63  }
0x43: {  	_ =	swait.ge [sflag:s17], $0x2000  }
0x44: {  	[sflag:s17] =	ssyncset.done $0x0  }
0x45: {  	[sflag:s17] =	ssyncadd.s32 $0xFFFFE000  }
0x46: {  	[spmem:s10] =	stream.linear.scatter [tilespmem:s18], [sflag:$0x2], $0x2000, $0x38;
	[tilespmem:$0x1E040] =	vst v63  }
0x47: {  	_ =	swait.ge [sflag:s17], $0x2000  }
0x48: {  	[sflag:s17] =	ssyncset.done $0x0  }
0x49: {  	[sflag:s17] =	ssyncadd.s32 $0xFFFFE000  }
0x4a: {  	s28 =	simm.s32 $0x0;
	[bflag:$0x0] =	sbarrier.arrive $0xFFFF  }
0x4b: {  	[tilespmem:s20], [sflag:$0x1] =	stream.indirect.gather [hbm4b:s4+s19], $0x80, s28, s19, $0xb8;
	[tilespmem:$0x1E040] =	vst v63  }
0x4c: {  	s28 =	simm.s32 $0x80  }
0x4d: {  	[tilespmem:s21], [sflag:$0x1] =	stream.indirect.gather [hbm4b:s4+s19], $0x80, s28, s19, $0xb8;
	[tilespmem:$0x1E040] =	vst v63  }
0x4e: {  	_ =	swait.ge [sflag:s22], $0x4000  }
0x4f: {  	[sflag:s22] =	ssyncset.done $0x0  }
0x50: {  	s28 =	simm.s32 $0x5000;
	[sflag:s22] =	ssyncadd.s32 $0xFFFFC000  }
0x51: {  	[spmem:s1] =	stream.indirect.scatter.add.f32 [tilespmem:s20], [sflag:$0x2], $0x80, s28, s19, $0xb8;
	[tilespmem:$0x1E040] =	vst v63  }
0x52: {  	_ =	swait.ge [sflag:s17], $0x4000  }
0x53: {  	[sflag:s17] =	ssyncset.done $0x0  }
0x54: {  	s28 =	simm.s32 $0x100;
	[sflag:s17] =	ssyncadd.s32 $0xFFFFC000  }
0x55: {  	[tilespmem:s20], [sflag:$0x1] =	stream.indirect.gather [hbm4b:s4+s19], $0x80, s28, s19, $0xb8;
	[tilespmem:$0x1E040] =	vst v63  }
0x56: {  	_ =	swait.ge [sflag:s22], $0x4000  }
0x57: {  	[sflag:s22] =	ssyncset.done $0x0  }
0x58: {  	s28 =	simm.s32 $0x5080;
	[sflag:s22] =	ssyncadd.s32 $0xFFFFC000  }
0x59: {  	[spmem:s1] =	stream.indirect.scatter.add.f32 [tilespmem:s21], [sflag:$0x2], $0x80, s28, s19, $0xb8;
	[tilespmem:$0x1E040] =	vst v63  }
0x5a: {  	_ =	swait.ge [sflag:s17], $0x4000  }
0x5b: {  	s29 =	simm.s32 $0x800;
	s28 =	simm.s32 $0x100;
	[sflag:s17] =	ssyncset.done $0x0  }
.LBB2_6:
0x5c: {  	s30 =	sadd.s32 $0x80, s28  }
0x5d: {  	[sflag:s17] =	ssyncadd.s32 $0xFFFFC000;
	s31 =	smov.u32 s29;
	s0 =	sadd.s32 $0x400, s29  }
0x5e: {  	[tilespmem:s21], [sflag:$0x1] =	stream.indirect.gather [hbm4b:s4+s19], $0x80, s30, s19, $0xb8;
	[tilespmem:$0x1E040] =	vst v63  }
0x5f: {  	p0 =	sne.s32 s29, $0x13800;
	_ =	swait.ge [sflag:s22], $0x4000  }
0x60: {  	[sflag:s22] =	ssyncset.done $0x0  }
0x61: {  	s29 =	sadd.s32 $0x5000, s28;
	[sflag:s22] =	ssyncadd.s32 $0xFFFFC000  }
0x62: {  	[spmem:s1] =	stream.indirect.scatter.add.f32 [tilespmem:s20], [sflag:$0x2], $0x80, s29, s19, $0xb8;
	[tilespmem:$0x1E040] =	vst v63  }
0x63: {  	_ =	swait.ge [sflag:s17], $0x4000  }
0x64: {  	[sflag:s17] =	ssyncset.done $0x0  }
0x65: {  	s29 =	sadd.s32 $0x100, s28;
	[sflag:s17] =	ssyncadd.s32 $0xFFFFC000  }
0x66: {  	[tilespmem:s20], [sflag:$0x1] =	stream.indirect.gather [hbm4b:s4+s19], $0x80, s29, s19, $0xb8;
	[tilespmem:$0x1E040] =	vst v63  }
0x67: {  	_ =	swait.ge [sflag:s22], $0x4000  }
.Ltmp2:
0x68: {  	[sflag:s22] =	ssyncset.done $0x0;
	(pc) =	sbr.rel @p0 .LBB2_6-.Ltmp2, $4  }
0x69: {  	s28 =	sadd.s32 $0x5080, s28;
	[sflag:s22] =	ssyncadd.s32 $0xFFFFC000  }
0x6a: {  	[spmem:s1] =	stream.indirect.scatter.add.f32 [tilespmem:s21], [sflag:$0x2], $0x80, s28, s19, $0xb8;
	[tilespmem:$0x1E040] =	vst v63  }
0x6b: {  	_ =	swait.ge [sflag:s17], $0x4000  }
0x6c: {  	s29 =	smov.u32 s0;
	s28 =	sshra.s32 s31, $0x2;
	[sflag:s17] =	ssyncset.done $0x0  }
0x6d: {  	s0 =	sadd.s32 $0x80, s28;
	[sflag:s17] =	ssyncadd.s32 $0xFFFFC000  }
0x6e: {  	[tilespmem:s21], [sflag:$0x1] =	stream.indirect.gather [hbm4b:s4+s19], $0x80, s0, s19, $0xb8;
	[tilespmem:$0x1E040] =	vst v63  }
0x6f: {  	_ =	swait.ge [sflag:s22], $0x4000  }
0x70: {  	[sflag:s22] =	ssyncset.done $0x0  }
0x71: {  	s29 =	sadd.s32 $0x5000, s28;
	[sflag:s22] =	ssyncadd.s32 $0xFFFFC000  }
0x72: {  	[spmem:s1] =	stream.indirect.scatter.add.f32 [tilespmem:s20], [sflag:$0x2], $0x80, s29, s19, $0xb8;
	[tilespmem:$0x1E040] =	vst v63  }
0x73: {  	_ =	swait.ge [sflag:s17], $0x4000  }
0x74: {  	[sflag:s17] =	ssyncset.done $0x0  }
0x75: {  	s30 =	sadd.s32 $0x100, s28;
	[sflag:s17] =	ssyncadd.s32 $0xFFFFC000  }
0x76: {  	[tilespmem:s20], [sflag:$0x1] =	stream.indirect.gather [hbm4b:s4+s19], $0x80, s30, s19, $0xb8;
	[tilespmem:$0x1E040] =	vst v63  }
0x77: {  	_ =	swait.ge [sflag:s22], $0x4000  }
0x78: {  	[sflag:s22] =	ssyncset.done $0x0  }
0x79: {  	s31 =	sadd.s32 $0x5080, s28;
	[sflag:s22] =	ssyncadd.s32 $0xFFFFC000  }
0x7a: {  	[spmem:s1] =	stream.indirect.scatter.add.f32 [tilespmem:s21], [sflag:$0x2], $0x80, s31, s19, $0xb8;
	[tilespmem:$0x1E040] =	vst v63  }
0x7b: {  	_ =	swait.ge [sflag:s17], $0x4000  }
0x7c: {  	[sflag:s17] =	ssyncset.done $0x0  }
0x7d: {  	[sflag:s17] =	ssyncadd.s32 $0xFFFFC000  }
0x7e: {  	[tilespmem:s21], [sflag:$0x1] =	stream.indirect.gather [hbm4b:s4+s19], $0x80, s23, s19, $0xb8;
	[tilespmem:$0x1E040] =	vst v63  }
0x7f: {  	_ =	swait.ge [sflag:s22], $0x4000  }
0x80: {  	[sflag:s22] =	ssyncset.done $0x0  }
0x81: {  	[sflag:s22] =	ssyncadd.s32 $0xFFFFC000  }
0x82: {  	[spmem:s1] =	stream.indirect.scatter.add.f32 [tilespmem:s20], [sflag:$0x2], $0x80, s24, s19, $0xb8;
	[tilespmem:$0x1E040] =	vst v63  }
0x83: {  	_ =	swait.ge [sflag:s17], $0x4000  }
0x84: {  	[sflag:s17] =	ssyncset.done $0x0  }
0x85: {  	[sflag:s17] =	ssyncadd.s32 $0xFFFFC000  }
0x86: {  	_ =	swait.ge [sflag:s22], $0x4000  }
0x87: {  	[sflag:s22] =	ssyncset.done $0x0  }
0x88: {  	[sflag:s22] =	ssyncadd.s32 $0xFFFFC000  }
0x89: {  	[spmem:s1] =	stream.indirect.scatter.add.f32 [tilespmem:s21], [sflag:$0x2], $0x80, s25, s19, $0xb8;
	[tilespmem:$0x1E040] =	vst v63  }
0x8a: {  	_ =	swait.ge [sflag:s17], $0x4000  }
0x8b: {  	[sflag:s17] =	ssyncset.done $0x0  }
0x8c: {  	[sflag:s17] =	ssyncadd.s32 $0xFFFFC000  }
0x8d: {  	[bflag:$0x0] =	sbarrier.arrive $0xFFFF  }
0x8e: {  	[tilespmem:s18], [sflag:$0x2] =	stream.linear.gather [spmem:s6], $0x2000, $0x38;
	[tilespmem:$0x1E040] =	vst v63  }
0x8f: {  	_ =	swait.ge [sflag:s17], $0x2000  }
0x90: {  	[sflag:s17] =	ssyncset.done $0x0  }
0x91: {  	[sflag:s17] =	ssyncadd.s32 $0xFFFFE000  }
0x92: {  	[hbm4b:s11+s3] =	stream.linear.scatter [tilespmem:s18], [sflag:$0x2], $0x2000, $0x38;
	[tilespmem:$0x1E040] =	vst v63  }
0x93: {  	_ =	swait.ge [sflag:s17], $0x2000  }
0x94: {  	[sflag:s17] =	ssyncset.done $0x0  }
0x95: {  	[sflag:s17] =	ssyncadd.s32 $0xFFFFE000  }
0x96: {  	[tilespmem:s18], [sflag:$0x2] =	stream.linear.gather [spmem:s7], $0x2000, $0x38;
	[tilespmem:$0x1E040] =	vst v63  }
0x97: {  	_ =	swait.ge [sflag:s17], $0x2000  }
0x98: {  	[sflag:s17] =	ssyncset.done $0x0  }
0x99: {  	[sflag:s17] =	ssyncadd.s32 $0xFFFFE000  }
0x9a: {  	[hbm4b:s12+s3] =	stream.linear.scatter [tilespmem:s18], [sflag:$0x2], $0x2000, $0x38;
	[tilespmem:$0x1E040] =	vst v63  }
0x9b: {  	_ =	swait.ge [sflag:s17], $0x2000  }
0x9c: {  	[sflag:s17] =	ssyncset.done $0x0  }
0x9d: {  	[sflag:s17] =	ssyncadd.s32 $0xFFFFE000  }
0x9e: {  	[tilespmem:s18], [sflag:$0x2] =	stream.linear.gather [spmem:s8], $0x2000, $0x38;
	[tilespmem:$0x1E040] =	vst v63  }
0x9f: {  	_ =	swait.ge [sflag:s17], $0x2000  }
0xa0: {  	[sflag:s17] =	ssyncset.done $0x0  }
0xa1: {  	[sflag:s17] =	ssyncadd.s32 $0xFFFFE000  }
0xa2: {  	[hbm4b:s13+s3] =	stream.linear.scatter [tilespmem:s18], [sflag:$0x2], $0x2000, $0x38;
	[tilespmem:$0x1E040] =	vst v63  }
0xa3: {  	_ =	swait.ge [sflag:s17], $0x2000  }
0xa4: {  	[sflag:s17] =	ssyncset.done $0x0  }
0xa5: {  	[sflag:s17] =	ssyncadd.s32 $0xFFFFE000  }
0xa6: {  	[tilespmem:s18], [sflag:$0x2] =	stream.linear.gather [spmem:s9], $0x2000, $0x38;
	[tilespmem:$0x1E040] =	vst v63  }
0xa7: {  	_ =	swait.ge [sflag:s17], $0x2000  }
0xa8: {  	[sflag:s17] =	ssyncset.done $0x0  }
0xa9: {  	[sflag:s17] =	ssyncadd.s32 $0xFFFFE000  }
0xaa: {  	[hbm4b:s14+s3] =	stream.linear.scatter [tilespmem:s18], [sflag:$0x2], $0x2000, $0x38;
	[tilespmem:$0x1E040] =	vst v63  }
0xab: {  	_ =	swait.ge [sflag:s17], $0x2000  }
0xac: {  	[sflag:s17] =	ssyncset.done $0x0  }
0xad: {  	[sflag:s17] =	ssyncadd.s32 $0xFFFFE000  }
0xae: {  	[tilespmem:s18], [sflag:$0x2] =	stream.linear.gather [spmem:s10], $0x2000, $0x38;
	[tilespmem:$0x1E040] =	vst v63  }
0xaf: {  	s26 =	sadd.s32 $0x1, s26;
	_ =	swait.ge [sflag:s17], $0x2000  }
0xb0: {  	p0 =	sne.s32 s26, s16;
	[sflag:s17] =	ssyncset.done $0x0  }
.Ltmp3:
0xb1: {  	[sflag:s17] =	ssyncadd.s32 $0xFFFFE000;
	(pc) =	sbr.rel @p0 .LBB2_1-.Ltmp3, $4  }
0xb2: {  	[hbm4b:s15+s3] =	stream.linear.scatter [tilespmem:s18], [sflag:$0x2], $0x2000, $0x38;
	[tilespmem:$0x1E040] =	vst v63  }
0xb3: {  	_ =	swait.ge [sflag:s17], $0x2000  }
0xb4: {  	[sflag:s17] =	ssyncset.done $0x0  }
0xb5: {  	[sflag:s17] =	ssyncadd.s32 $0xFFFFE000  }
0xb6: {  	_ =	sfence.sel $0x180000  }
0xb7: {  	[bflag:$0x0] =	sbarrier.arrive $0xFFFF  }
0xb8: {  	_ =	strace $0x9000004A  }
0xb9: {  	[bflag:$0x2] =	sbarrier.arrive $0xFFFF  }
0xba: {  	p0 =	sne.s32 s2, $0x0;
	s0 =	rddreg [dreg:$0x3]  }
0xbb: {  	s0 =	sadd.s32 @!p0 $0x100000, s0  }
0xbc: {  	[sflag:s0] =	ssyncadd.tile.s32 @!p0 $0x1;
	_ =	shalt  }
.Lfunc_end2:
_tile_overlayer_lowered:
.L_overlay_start_2:
0xbd: {  	(tag) =	ssettag $0x2  }
0xbe: {  	s0 =	rddreg [dreg:$0x0];
	s2 =	stileid.u32  }
0xbf: {  	s1 =	rddreg [dreg:$0x1];
	p0 =	sne.s32 s2, $0x0  }
0xc0: {  	s3 =	rddreg [dreg:$0x2];
	[bflag:$0x3] =	sbarrier.arrive $0xFFFF;
	s2 =	simm.s32 @!p0 $0x1C02  }
0xc1: {  	[timem:s3], [sflag:s2] =	dma.local @!p0 [hbm:s0], s1  }
0xc2: {  	s0 =	simm.s32 @!p0 $0x2  }
0xc3: {  	_ =	swait.ge @!p0 [sflag:s0], s1  }
0xc4: {  	s1 =	ssub.s32 @!p0 $0x0, s1;
	[sflag:s0] =	ssyncset.done @!p0 $0x0  }
0xc5: {  	[sflag:s0] =	ssyncadd.s32 @!p0 s1  }
0xc6: {  	[bflag:$0x3] =	sbarrier.arrive $0xFFFF  }
0xc7: {  	_ =	shalt  }

// kernel: kernel.14.cloned.1.call-start
scs
__scs_entry_jumppad:
0x0: {  	(pc) =	sbr.rel $0x88, $3  }
0x1: {  	(tag) =	ssettag $0x0;
	lr =	simm.s32 $0x1  }
0x2: {  	[smem:$0x3F9B] =	sst lr;
	_ =	strace $0xD0000000  }
0x3: {  	_ = 	snop  }
0x4: {  	_ = 	snop  }
0x5: {  	_ = 	snop  }
0x6: {  	_ = 	snop  }
0x7: {  	_ = 	snop  }
__scs_overlays_trampoline_lowered:
0x8: {  	[smem:$0x3FAA] =	sst s0  }
0x9: {  	[smem:$0x3FAB] =	sst s1  }
0xa: {  	[smem:$0x3FAC] =	sst s2  }
0xb: {  	[smem:$0x3FAD] =	sst s3  }
0xc: {  	[smem:$0x3FAE] =	sst s4  }
0xd: {  	[smem:$0x3FAF] =	sst s5  }
0xe: {  	[smem:$0x3FB0] =	sst s6  }
0xf: {  	[smem:$0x3FB1] =	sst s7  }
0x10: {  	[smem:$0x3FB2] =	sst s8  }
0x11: {  	[smem:$0x3FB3] =	sst s9;
	s0 =	simm.s32 @!p0 $0x0  }
0x12: {  	s1 =	sld [smem:$0x3F99];
	s0 =	simm.s32 @p0 $0x1  }
0x13: {  	[smem:$0x3FB4] =	sst s0;
	s0 =	simm.s32 @!p1 $0x0  }
0x14: {  	s2 =	sld [smem:$0x3F98];
	s0 =	simm.s32 @p1 $0x1  }
0x15: {  	[smem:$0x3FB5] =	sst s0;
	s0 =	simm.s32 @!p2 $0x0  }
0x16: {  	s3 =	sld [smem:$0x3FDB];
	s0 =	simm.s32 @p2 $0x1  }
0x17: {  	s4 =	simm.s32 $0x1BF5;
	[smem:$0x3FB7] =	sst s0  }
0x18: {  	s0 =	sld [smem:$0x3F9A];
	_ =	swait.ge [sflag:s4], $0x0  }
0x19: {  	s7 =	sld [smem:$0x3F9B]  }
0x1a: {  	s8 =	sadd.s32 $0xFFFFE003, lr  }
0x1b: {  	s9 =	sadd.s32 $0xFFFFFEF7, lr;
	s5 =	simm.s32 $0xFFFFFFFF;
	p2 =	slt.u32 s8, $0xFFFFF086  }
0x1c: {  	p1 =	slt.u32 s9, $0xF7A;
	s5 =	simm.s32 @!p2 $0x0  }
0x1d: {  	s5 =	simm.s32 @p1 $0x1;
	p0 =	seq.s32 s7, s2  }
0x1e: {  	s7 =	smul.u32 @!p0 $0xF7A, s2;
	p2 =	seq.s32 @!p0 s5, $0x0  }
0x1f: {  	s9 =	smul.u32 $0xF7A, s1;
	s8 =	simm.s32 @!p0 $0x1BF5;
	p2 =	por !p2, p0  }
0x20: {  	[sflag:s8] =	ssyncset.s32 @!p0 $0xFFFFF086;
	s6 =	sadd.s32 @!p0 s3, s7;
	s7 =	simm.s32 @!p0 $0x108  }
0x21: {  	s3 =	sadd.s32 s3, s9;
	s6 =	sadd.s32 @!p0 $0x88, s6;
	s7 =	simm.s32 @p2 $0x1082  }
0x22: {  	[simem:s7], [sflag:s8] =	dma.local @!p0 [hbm:s6], $0xF7A  }
0x23: {  	s9 =	sor.u32 $0xD0000000, s2;
	s6 =	simm.s32 $0x108;
	_ =	swait.ge @!p0 [sflag:s8], $0x0  }
0x24: {  	s3 =	sadd.s32 $0x88, s3;
	s6 =	simm.s32 @!p1 $0x1082;
	[sflag:s4] =	ssyncset.s32 $0xFFFFF086  }
0x25: {  	[simem:s6], [sflag:s4] =	dma.local [hbm:s3], $0xF7A  }
0x26: {  	[smem:$0x3F9B] =	sst s1;
	(tag) =	ssettag s2;
	_ =	strace s9  }
0x27: {  	s1 =	sld [smem:$0x3FAB]  }
0x28: {  	s2 =	sld [smem:$0x3FAC]  }
0x29: {  	s4 =	sld [smem:$0x3FAE]  }
0x2a: {  	p0 =	seq.s32 s5, $0x0;
	s5 =	sld [smem:$0x3FAF]  }
0x2b: {  	s6 =	sld [smem:$0x3FB0]  }
0x2c: {  	s7 =	sld [smem:$0x3FB1]  }
0x2d: {  	s3 =	simm.s32 $0x108;
	s8 =	sld [smem:$0x3FB2]  }
0x2e: {  	s3 =	simm.s32 @!p0 $0x1082;
	s9 =	sld [smem:$0x3FB3]  }
0x2f: {  	lr =	sadd.s32 s0, s3;
	s0 =	sld [smem:$0x3FAA]  }
0x30: {  	s3 =	sld [smem:$0x3FAD]  }
0x31: {  	[smem:$0x3FB6] =	sst s10  }
0x32: {  	s10 =	sld [smem:$0x3FB4];
	_ =	sdelay $0x3  }
0x33: {  	p0 =	seq.s32 s10, $0x1;
	s10 =	sld [smem:$0x3FB6];
	_ =	sdelay $0x3  }
0x34: {  	[smem:$0x3FB6] =	sst s10  }
0x35: {  	s10 =	sld [smem:$0x3FB5];
	_ =	sdelay $0x3  }
0x36: {  	p1 =	seq.s32 s10, $0x1;
	s10 =	sld [smem:$0x3FB6];
	_ =	sdelay $0x3  }
0x37: {  	[smem:$0x3FB6] =	sst s10  }
0x38: {  	s10 =	sld [smem:$0x3FB7]  }
0x39: {  	_ = 	snop;
	(pc) =	sbr.ind lr, $3  }
0x3a: {  	_ = 	snop  }
0x3b: {  	_ = 	snop  }
0x3c: {  	p2 =	seq.s32 s10, $0x1;
	s10 =	sld [smem:$0x3FB6]  }
0x3d: {  	_ =	shalt  }
0x3e: {  	_ =	shalt  }
0x3f: {  	_ =	shalt  }
0x40: {  	_ =	shalt  }
0x41: {  	_ =	shalt  }
0x42: {  	_ =	shalt  }
0x43: {  	_ =	shalt  }
0x44: {  	_ =	shalt  }
0x45: {  	_ =	shalt  }
0x46: {  	_ =	shalt  }
0x47: {  	_ =	shalt  }
0x48: {  	_ =	shalt  }
0x49: {  	_ =	shalt  }
0x4a: {  	_ =	shalt  }
0x4b: {  	_ =	shalt  }
0x4c: {  	_ =	shalt  }
0x4d: {  	_ =	shalt  }
0x4e: {  	_ =	shalt  }
0x4f: {  	_ =	shalt  }
0x50: {  	_ =	shalt  }
0x51: {  	_ =	shalt  }
0x52: {  	_ =	shalt  }
0x53: {  	_ =	shalt  }
0x54: {  	_ =	shalt  }
0x55: {  	_ =	shalt  }
0x56: {  	_ =	shalt  }
0x57: {  	_ =	shalt  }
0x58: {  	_ =	shalt  }
0x59: {  	_ =	shalt  }
0x5a: {  	_ =	shalt  }
0x5b: {  	_ =	shalt  }
0x5c: {  	_ =	shalt  }
0x5d: {  	_ =	shalt  }
0x5e: {  	_ =	shalt  }
0x5f: {  	_ =	shalt  }
0x60: {  	_ =	shalt  }
0x61: {  	_ =	shalt  }
0x62: {  	_ =	shalt  }
0x63: {  	_ =	shalt  }
0x64: {  	_ =	shalt  }
0x65: {  	_ =	shalt  }
0x66: {  	_ =	shalt  }
0x67: {  	_ =	shalt  }
0x68: {  	_ =	shalt  }
0x69: {  	_ =	shalt  }
0x6a: {  	_ =	shalt  }
0x6b: {  	_ =	shalt  }
0x6c: {  	_ =	shalt  }
0x6d: {  	_ =	shalt  }
0x6e: {  	_ =	shalt  }
0x6f: {  	_ =	shalt  }
0x70: {  	_ =	shalt  }
0x71: {  	_ =	shalt  }
0x72: {  	_ =	shalt  }
0x73: {  	_ =	shalt  }
0x74: {  	_ =	shalt  }
0x75: {  	_ =	shalt  }
0x76: {  	_ =	shalt  }
0x77: {  	_ =	shalt  }
0x78: {  	_ =	shalt  }
0x79: {  	_ =	shalt  }
0x7a: {  	_ =	shalt  }
0x7b: {  	_ =	shalt  }
0x7c: {  	_ =	shalt  }
0x7d: {  	_ =	shalt  }
0x7e: {  	_ =	shalt  }
0x7f: {  	_ =	shalt  }
0x80: {  	_ =	shalt  }
0x81: {  	_ =	shalt  }
0x82: {  	_ =	shalt  }
0x83: {  	_ =	shalt  }
0x84: {  	_ =	shalt  }
0x85: {  	_ =	shalt  }
0x86: {  	_ =	shalt  }
0x87: {  	_ =	shalt  }
.Lfunc_end0:
.L_simem_size_0:
called_computation.2_lowered:
.L_overlay_start_0:
0x88: {  	s2 =	sld [smem:$0x3FD9]  }
0x89: {  	s3 =	sld [smem:$0x3FFE];
	_ =	sdelay $0x1  }
0x8a: {  	s1 =	srdreg.scid  }
0x8b: {  	s0 =	sand.u32 $0x1, s1  }
0x8c: {  	s17 =	sshll.u32 s0, $0xA;
	s2 =	sadd.s32 s3, s2  }
0x8d: {  	s2 =	sadd.s32 s2, s17  }
0x8e: {  	[smem:$0x3FC2] =	sst s2  }
0x8f: {  	_ = 	snop  }
0x90: {  	s2 =	sld [smem:$0x3FD0];
	(tm) =	ssettm $0x1  }
0x91: {  	s18 =	sld [smem:$0x3FFB];
	_ =	sdelay $0x3  }
0x92: {  	_ =	strace s18  }
0x93: {  	s3 =	sld [smem:$0x3FFC];
	_ =	sdelay $0x3  }
0x94: {  	_ =	strace s3  }
0x95: {  	s3 =	sld [smem:$0x3FFD];
	_ =	sdelay $0x3  }
0x96: {  	_ =	strace s3  }
0x97: {  	_ =	strace $0x8FFFFFFF  }
0x98: {  	s19 =	sld [smem:$0x3FDB];
	_ =	sdelay $0x1  }
0x99: {  	s4 =	simm.s32 $_scs_section_size  }
0x9a: {  	s5 =	simm.s32 $_size__tile_overlayer_lowered;
	s6 =	simm.s32 $_tile_overlayer_lowered  }
0x9b: {  	s22 =	simm.s32 $0x1BFF;
	s21 =	sshll.u32 s6, $0x1;
	s3 =	sadd.s32 s4, s19  }
0x9c: {  	s7 =	simm.s32 $0x0;
	s20 =	sshll.u32 s5, $0x1;
	s5 =	sadd.s32 s21, s3  }
0x9d: {  	[timem:s7], [sflag:s22] =	dma.local [hbm:s5], s20  }
0x9e: {  	_ =	swait.ge [sflag:s22], s20  }
0x9f: {  	s4 =	ssub.s32 $0x0, s20;
	[sflag:s22] =	ssyncset.done $0x0  }
0xa0: {  	[sflag:s22] =	ssyncadd.s32 s4;
	_ =	sdelay $0x1  }
0xa1: {  	s23 =	simm.s32 $0x1B8B  }
0xa2: {  	_ =	swait.ge [sflag:s23], $0x1  }
0xa3: {  	[sflag:s23] =	ssyncset.done $0x0  }
0xa4: {  	s25 =	simm.s32 $0x1B8E;
	s24 =	sld [smem:$0x3FFE];
	[sflag:s23] =	ssyncadd.s32 $0xFFFFFFFF  }
0xa5: {  	s26 =	simm.s32 $execute0_lowered;
	[smem:$0x3FD2] =	sst s25  }
0xa6: {  	s5 =	sshll.u32 s26, $0x1;
	_ =	strace $0x8000004C;
	[dreg:$0x1] =	wrdreg $0xFFFFFFFF  }
0xa7: {  	s28 =	simm.s32 $_size_execute0_lowered;
	s3 =	sadd.s32 s3, s5;
	[dreg:$0x0] =	wrdreg $0x0  }
0xa8: {  	s5 =	sshll.u32 s28, $0x1;
	[dreg:$0x2] =	wrdreg s3  }
0xa9: {  	[dreg:$0x3] =	wrdreg s5  }
0xaa: {  	[dreg:$0x4] =	wrdreg $0xC0  }
0xab: {  	_ =	task [dreg:s7], $0x5FFFF  }
0xac: {  	[dreg:$0x1] =	wrdreg $0xFFFFFFFF  }
0xad: {  	[dreg:$0x0] =	wrdreg $0x60  }
0xae: {  	[dreg:$0x2] =	wrdreg s24  }
0xaf: {  	[dreg:$0x3] =	wrdreg s2  }
0xb0: {  	[dreg:$0x4] =	wrdreg $0x140000  }
0xb1: {  	[dreg:$0x5] =	wrdreg $0x9  }
0xb2: {  	_ =	task.clear_ibuf [dreg:s7], $0x6FFFF;
	_ =	strace $0x9000004C  }
0xb3: {  	s29 =	simm.s32 $0x9;
	_ =	strace $0x8000004E  }
0xb4: {  	_ =	swait.ge [sflag:s29], $0x1  }
0xb5: {  	[sflag:s29] =	ssyncadd.s32 $0xFFFFFFFF  }
0xb6: {  	_ =	strace $0x9000004E  }
0xb7: {  	_ =	sfence  }
0xb8: {  	s30 =	sld [smem:$0x0];
	_ =	sdelay $0x2  }
0xb9: {  	s31 =	sshll.u32 s1, $0xD;
	s1 =	sshrl.u32 s1, $0x2  }
0xba: {  	s3 =	sand.u32 $0x4000, s31;
	s1 =	sadd.s32 s1, s30  }
0xbb: {  	s0 =	sor.u32 s3, s0;
	s1 =	sshll.u32 s1, $0x11  }
0xbc: {  	s0 =	sor.u32 s1, s0  }
0xbd: {  	s0 =	sadd.s32 $0x8F2B, s0  }
0xbe: {  	[sflag:s0] =	ssyncadd.remote.s32 $0x1  }
0xbf: {  	_ =	sfence.sel $0xFFFF  }
0xc0: {  	[dreg:$0x0] =	wrdreg $0xFFFFFFFF;
	(pc) =	sbr.abs _section_cstart, $3  }
0xc1: {  	[dreg:$0x1] =	wrdreg $0xFFFFFFFF  }
0xc2: {  	_ =	task.clear_ibuf [dreg:s7], $0x2FFFF;
	_ =	strace $0x9FFFFFFF  }
0xc3: {  	(tm) =	ssettm $0x7FFFFFFF  }
tec
execute0_lowered:
.L_overlay_start_1:
0x0: {  	(tag) =	ssettag $0x1  }
0x1: {  	s5 =	rddreg [dreg:$0x0]  }
0x2: {  	s6 =	rddreg [dreg:$0x1]  }
0x3: {  	s1 =	rddreg [dreg:$0x2];
	s3 =	simm.s32 $0x0;
	s4 =	srdreg.scid  }
0x4: {  	s2 =	stileid.u32;
	s20 =	simm.s32 $0xA000;
	s21 =	simm.s32 $0xE000  }
0x5: {  	s22 =	simm.s32 $0x1;
	[smem:$0x7FF] =	sst s3;
	s9 =	smul.u32 $0xA00, s2  }
0x6: {  	s7 =	sand.u32 $0x1, s4;
	s4 =	sadd.s32 $0x2600, s5;
	s11 =	smul.u32 $0x28000, s2  }
0x7: {  	s15 =	sadd.s32 $0x2A600, s5;
	s23 =	smul.u32 $0x140, s2;
	s8 =	ssub.s32 $0x2, s7  }
0x8: {  	_ =	strace $0x8000004D;
	s24 =	smul.u32 $0x1400, s7;
	s10 =	sshrl.u32 s8, $0x1  }
0x9: {  	s5 =	sadd.s32 s6, s9;
	s25 =	sshrl.u32 s11, $0x2;
	s26 =	sadd.s32 $0x40, s23  }
0xa: {  	s13 =	sadd.s32 $0x80, s23;
	s14 =	sadd.s32 $0xC0, s23;
	s17 =	sadd.s32 $0x100, s23  }
0xb: {  	s16 =	ssub.s32 s8, s10;
	s6 =	sadd.s32 s25, s1;
	s28 =	sshll.u32 s26, $0x7  }
0xc: {  	s29 =	sshll.u32 s13, $0x7;
	s30 =	sshll.u32 s14, $0x7;
	s10 =	sadd.s32 s23, s24  }
0xd: {  	s12 =	sshll.u32 s17, $0x7;
	s19 =	sadd.s32 s24, s26;
	s13 =	sadd.s32 s24, s13  }
0xe: {  	s14 =	sadd.s32 s24, s14;
	s17 =	sadd.s32 s24, s17;
	s23 =	simm.s32 $0x4F80  }
0xf: {  	v0 =	vmov s24;
	s24 =	simm.s32 $0x9F00;
	s25 =	simm.s32 $0x9F80;
	s26 =	simm.s32 $0x0  }
0x10: {  	s7 =	sadd.s32 s28, s1;
	s8 =	sadd.s32 s29, s1;
	s9 =	sadd.s32 s30, s1  }
0x11: {  	s18 =	sshll.u32 s10, $0x4;
	s10 =	sadd.s32 s12, s1;
	s31 =	sshll.u32 s19, $0x4  }
0x12: {  	s13 =	sshll.u32 s13, $0x4;
	s14 =	sshll.u32 s14, $0x4;
	s17 =	sshll.u32 s17, $0x4  }
0x13: {  	s16 =	smax.u32 s16, $0x1;
	s19 =	simm.s32 $0x80;
	s11 =	sadd.s32 s15, s18  }
0x14: {  	s12 =	sadd.s32 s15, s31;
	s13 =	sadd.s32 s15, s13;
	s14 =	sadd.s32 s15, s14  }
0x15: {  	v1 =	vimm.f32 $0.0e+00;
	s15 =	sadd.s32 s15, s17;
	s17 =	simm.s32 $0x2;
	s18 =	simm.s32 $0x12000  }
.LBB2_1:
0x16: {  	[tilespmem:s3], [sflag:$0x2] =	stream.linear.gather [hbm4b:s5+s3], $0x5000, $0x38;
	[tilespmem:$0x1E040] =	vst v63  }
0x17: {  	_ =	swait.ge [sflag:s17], $0x5000  }
0x18: {  	[sflag:s17] =	ssyncset.done $0x0  }
0x19: {  	s28 =	simm.s32 $0x0;
	s29 =	simm.s32 $0x40;
	[sflag:s17] =	ssyncadd.s32 $0xFFFFB000  }
.LBB2_2:
0x1a: {  	p0 =	sne.s32 s29, $0x13FC0;
	v2 =	vld [tilespmem:s28+$0x0];
	_ =	sdelay $0x4  }
.Ltmp0:
0x1b: {  	v3 =	vand.u32 $0x3FFF, v2;
	(pc) =	sbr.rel @p0 .LBB2_2-.Ltmp0, $4  }
0x1c: {  	v3 =	vsub.s32 v3, v0  }
0x1d: {  	v2 =	vshrl.u32 v2, $0xE;
	vm0 =	vlt.u32 v3, $0x1400;
	v3 =	vmin.u32 v3, $0x1400  }
0x1e: {  	v2 =	vnsel vm0, $0x27FF, v2;
	[tilespmem:s28+$0x5000] =	vst v3  }
0x1f: {  	[tilespmem:s28+$0x0] =	vst v2;
	s28 =	sshra.s32 s29, $0x2;
	s29 =	sadd.s32 $0x40, s29  }
0x20: {  	v2 =	vld [tilespmem:s28+$0x0];
	_ =	sdelay $0x4  }
0x21: {  	v3 =	vand.u32 $0x3FFF, v2  }
0x22: {  	v3 =	vsub.s32 v3, v0  }
0x23: {  	v2 =	vshrl.u32 v2, $0xE;
	vm0 =	vlt.u32 v3, $0x1400;
	v3 =	vmin.u32 v3, $0x1400  }
0x24: {  	v2 =	vnsel vm0, $0x27FF, v2;
	[tilespmem:s28+$0x5000] =	vst v3  }
0x25: {  	s29 =	simm.s32 $0x200;
	[tilespmem:s28+$0x0] =	vst v2;
	s28 =	simm.s32 $0x0  }
.LBB2_4:
0x26: {  	p0 =	sne.s32 s29, $0x7E00;
	[tilespmem:s28+$0x12070] =	vst v1  }
0x27: {  	[tilespmem:s28+$0x12000] =	vst v1  }
0x28: {  	[tilespmem:s28+$0x12010] =	vst v1  }
.Ltmp1:
0x29: {  	[tilespmem:s28+$0x12020] =	vst v1;
	(pc) =	sbr.rel @p0 .LBB2_4-.Ltmp1, $4  }
0x2a: {  	[tilespmem:s28+$0x12030] =	vst v1  }
0x2b: {  	[tilespmem:s28+$0x12040] =	vst v1  }
0x2c: {  	[tilespmem:s28+$0x12050] =	vst v1  }
0x2d: {  	[tilespmem:s28+$0x12060] =	vst v1;
	s28 =	sshra.s32 s29, $0x2;
	s29 =	sadd.s32 $0x200, s29  }
0x2e: {  	[tilespmem:s28+$0x12070] =	vst v1  }
0x2f: {  	[tilespmem:s28+$0x12000] =	vst v1  }
0x30: {  	[tilespmem:s28+$0x12010] =	vst v1  }
0x31: {  	[tilespmem:s28+$0x12020] =	vst v1  }
0x32: {  	[tilespmem:s28+$0x12030] =	vst v1  }
0x33: {  	[tilespmem:s28+$0x12040] =	vst v1  }
0x34: {  	[tilespmem:s28+$0x12050] =	vst v1  }
0x35: {  	[tilespmem:s28+$0x12060] =	vst v1  }
0x36: {  	[spmem:s6] =	stream.linear.scatter [tilespmem:s18], [sflag:$0x2], $0x2000, $0x38;
	[tilespmem:$0x1E040] =	vst v63  }
0x37: {  	_ =	swait.ge [sflag:s17], $0x2000  }
0x38: {  	[sflag:s17] =	ssyncset.done $0x0  }
0x39: {  	[sflag:s17] =	ssyncadd.s32 $0xFFFFE000  }
0x3a: {  	[spmem:s7] =	stream.linear.scatter [tilespmem:s18], [sflag:$0x2], $0x2000, $0x38;
	[tilespmem:$0x1E040] =	vst v63  }
0x3b: {  	_ =	swait.ge [sflag:s17], $0x2000  }
0x3c: {  	[sflag:s17] =	ssyncset.done $0x0  }
0x3d: {  	[sflag:s17] =	ssyncadd.s32 $0xFFFFE000  }
0x3e: {  	[spmem:s8] =	stream.linear.scatter [tilespmem:s18], [sflag:$0x2], $0x2000, $0x38;
	[tilespmem:$0x1E040] =	vst v63  }
0x3f: {  	_ =	swait.ge [sflag:s17], $0x2000  }
0x40: {  	[sflag:s17] =	ssyncset.done $0x0  }
0x41: {  	[sflag:s17] =	ssyncadd.s32 $0xFFFFE000  }
0x42: {  	[spmem:s9] =	stream.linear.scatter [tilespmem:s18], [sflag:$0x2], $0x2000, $0x38;
	[tilespmem:$0x1E040] =	vst v63  }
0x43: {  	_ =	swait.ge [sflag:s17], $0x2000  }
0x44: {  	[sflag:s17] =	ssyncset.done $0x0  }
0x45: {  	[sflag:s17] =	ssyncadd.s32 $0xFFFFE000  }
0x46: {  	[spmem:s10] =	stream.linear.scatter [tilespmem:s18], [sflag:$0x2], $0x2000, $0x38;
	[tilespmem:$0x1E040] =	vst v63  }
0x47: {  	_ =	swait.ge [sflag:s17], $0x2000  }
0x48: {  	[sflag:s17] =	ssyncset.done $0x0  }
0x49: {  	[sflag:s17] =	ssyncadd.s32 $0xFFFFE000  }
0x4a: {  	s28 =	simm.s32 $0x0;
	[bflag:$0x0] =	sbarrier.arrive $0xFFFF  }
0x4b: {  	[tilespmem:s20], [sflag:$0x1] =	stream.indirect.gather [hbm4b:s4+s19], $0x80, s28, s19, $0xb8;
	[tilespmem:$0x1E040] =	vst v63  }
0x4c: {  	s28 =	simm.s32 $0x80  }
0x4d: {  	[tilespmem:s21], [sflag:$0x1] =	stream.indirect.gather [hbm4b:s4+s19], $0x80, s28, s19, $0xb8;
	[tilespmem:$0x1E040] =	vst v63  }
0x4e: {  	_ =	swait.ge [sflag:s22], $0x4000  }
0x4f: {  	[sflag:s22] =	ssyncset.done $0x0  }
0x50: {  	s28 =	simm.s32 $0x5000;
	[sflag:s22] =	ssyncadd.s32 $0xFFFFC000  }
0x51: {  	[spmem:s1] =	stream.indirect.scatter.add.f32 [tilespmem:s20], [sflag:$0x2], $0x80, s28, s19, $0xb8;
	[tilespmem:$0x1E040] =	vst v63  }
0x52: {  	_ =	swait.ge [sflag:s17], $0x4000  }
0x53: {  	[sflag:s17] =	ssyncset.done $0x0  }
0x54: {  	s28 =	simm.s32 $0x100;
	[sflag:s17] =	ssyncadd.s32 $0xFFFFC000  }
0x55: {  	[tilespmem:s20], [sflag:$0x1] =	stream.indirect.gather [hbm4b:s4+s19], $0x80, s28, s19, $0xb8;
	[tilespmem:$0x1E040] =	vst v63  }
0x56: {  	_ =	swait.ge [sflag:s22], $0x4000  }
0x57: {  	[sflag:s22] =	ssyncset.done $0x0  }
0x58: {  	s28 =	simm.s32 $0x5080;
	[sflag:s22] =	ssyncadd.s32 $0xFFFFC000  }
0x59: {  	[spmem:s1] =	stream.indirect.scatter.add.f32 [tilespmem:s21], [sflag:$0x2], $0x80, s28, s19, $0xb8;
	[tilespmem:$0x1E040] =	vst v63  }
0x5a: {  	_ =	swait.ge [sflag:s17], $0x4000  }
0x5b: {  	s29 =	simm.s32 $0x800;
	s28 =	simm.s32 $0x100;
	[sflag:s17] =	ssyncset.done $0x0  }
.LBB2_6:
0x5c: {  	s30 =	sadd.s32 $0x80, s28  }
0x5d: {  	[sflag:s17] =	ssyncadd.s32 $0xFFFFC000;
	s31 =	smov.u32 s29;
	s0 =	sadd.s32 $0x400, s29  }
0x5e: {  	[tilespmem:s21], [sflag:$0x1] =	stream.indirect.gather [hbm4b:s4+s19], $0x80, s30, s19, $0xb8;
	[tilespmem:$0x1E040] =	vst v63  }
0x5f: {  	p0 =	sne.s32 s29, $0x13800;
	_ =	swait.ge [sflag:s22], $0x4000  }
0x60: {  	[sflag:s22] =	ssyncset.done $0x0  }
0x61: {  	s29 =	sadd.s32 $0x5000, s28;
	[sflag:s22] =	ssyncadd.s32 $0xFFFFC000  }
0x62: {  	[spmem:s1] =	stream.indirect.scatter.add.f32 [tilespmem:s20], [sflag:$0x2], $0x80, s29, s19, $0xb8;
	[tilespmem:$0x1E040] =	vst v63  }
0x63: {  	_ =	swait.ge [sflag:s17], $0x4000  }
0x64: {  	[sflag:s17] =	ssyncset.done $0x0  }
0x65: {  	s29 =	sadd.s32 $0x100, s28;
	[sflag:s17] =	ssyncadd.s32 $0xFFFFC000  }
0x66: {  	[tilespmem:s20], [sflag:$0x1] =	stream.indirect.gather [hbm4b:s4+s19], $0x80, s29, s19, $0xb8;
	[tilespmem:$0x1E040] =	vst v63  }
0x67: {  	_ =	swait.ge [sflag:s22], $0x4000  }
.Ltmp2:
0x68: {  	[sflag:s22] =	ssyncset.done $0x0;
	(pc) =	sbr.rel @p0 .LBB2_6-.Ltmp2, $4  }
0x69: {  	s28 =	sadd.s32 $0x5080, s28;
	[sflag:s22] =	ssyncadd.s32 $0xFFFFC000  }
0x6a: {  	[spmem:s1] =	stream.indirect.scatter.add.f32 [tilespmem:s21], [sflag:$0x2], $0x80, s28, s19, $0xb8;
	[tilespmem:$0x1E040] =	vst v63  }
0x6b: {  	_ =	swait.ge [sflag:s17], $0x4000  }
0x6c: {  	s29 =	smov.u32 s0;
	s28 =	sshra.s32 s31, $0x2;
	[sflag:s17] =	ssyncset.done $0x0  }
0x6d: {  	s0 =	sadd.s32 $0x80, s28;
	[sflag:s17] =	ssyncadd.s32 $0xFFFFC000  }
0x6e: {  	[tilespmem:s21], [sflag:$0x1] =	stream.indirect.gather [hbm4b:s4+s19], $0x80, s0, s19, $0xb8;
	[tilespmem:$0x1E040] =	vst v63  }
0x6f: {  	_ =	swait.ge [sflag:s22], $0x4000  }
0x70: {  	[sflag:s22] =	ssyncset.done $0x0  }
0x71: {  	s29 =	sadd.s32 $0x5000, s28;
	[sflag:s22] =	ssyncadd.s32 $0xFFFFC000  }
0x72: {  	[spmem:s1] =	stream.indirect.scatter.add.f32 [tilespmem:s20], [sflag:$0x2], $0x80, s29, s19, $0xb8;
	[tilespmem:$0x1E040] =	vst v63  }
0x73: {  	_ =	swait.ge [sflag:s17], $0x4000  }
0x74: {  	[sflag:s17] =	ssyncset.done $0x0  }
0x75: {  	s30 =	sadd.s32 $0x100, s28;
	[sflag:s17] =	ssyncadd.s32 $0xFFFFC000  }
0x76: {  	[tilespmem:s20], [sflag:$0x1] =	stream.indirect.gather [hbm4b:s4+s19], $0x80, s30, s19, $0xb8;
	[tilespmem:$0x1E040] =	vst v63  }
0x77: {  	_ =	swait.ge [sflag:s22], $0x4000  }
0x78: {  	[sflag:s22] =	ssyncset.done $0x0  }
0x79: {  	s31 =	sadd.s32 $0x5080, s28;
	[sflag:s22] =	ssyncadd.s32 $0xFFFFC000  }
0x7a: {  	[spmem:s1] =	stream.indirect.scatter.add.f32 [tilespmem:s21], [sflag:$0x2], $0x80, s31, s19, $0xb8;
	[tilespmem:$0x1E040] =	vst v63  }
0x7b: {  	_ =	swait.ge [sflag:s17], $0x4000  }
0x7c: {  	[sflag:s17] =	ssyncset.done $0x0  }
0x7d: {  	[sflag:s17] =	ssyncadd.s32 $0xFFFFC000  }
0x7e: {  	[tilespmem:s21], [sflag:$0x1] =	stream.indirect.gather [hbm4b:s4+s19], $0x80, s23, s19, $0xb8;
	[tilespmem:$0x1E040] =	vst v63  }
0x7f: {  	_ =	swait.ge [sflag:s22], $0x4000  }
0x80: {  	[sflag:s22] =	ssyncset.done $0x0  }
0x81: {  	[sflag:s22] =	ssyncadd.s32 $0xFFFFC000  }
0x82: {  	[spmem:s1] =	stream.indirect.scatter.add.f32 [tilespmem:s20], [sflag:$0x2], $0x80, s24, s19, $0xb8;
	[tilespmem:$0x1E040] =	vst v63  }
0x83: {  	_ =	swait.ge [sflag:s17], $0x4000  }
0x84: {  	[sflag:s17] =	ssyncset.done $0x0  }
0x85: {  	[sflag:s17] =	ssyncadd.s32 $0xFFFFC000  }
0x86: {  	_ =	swait.ge [sflag:s22], $0x4000  }
0x87: {  	[sflag:s22] =	ssyncset.done $0x0  }
0x88: {  	[sflag:s22] =	ssyncadd.s32 $0xFFFFC000  }
0x89: {  	[spmem:s1] =	stream.indirect.scatter.add.f32 [tilespmem:s21], [sflag:$0x2], $0x80, s25, s19, $0xb8;
	[tilespmem:$0x1E040] =	vst v63  }
0x8a: {  	_ =	swait.ge [sflag:s17], $0x4000  }
0x8b: {  	[sflag:s17] =	ssyncset.done $0x0  }
0x8c: {  	[sflag:s17] =	ssyncadd.s32 $0xFFFFC000  }
0x8d: {  	[bflag:$0x0] =	sbarrier.arrive $0xFFFF  }
0x8e: {  	[tilespmem:s18], [sflag:$0x2] =	stream.linear.gather [spmem:s6], $0x2000, $0x38;
	[tilespmem:$0x1E040] =	vst v63  }
0x8f: {  	_ =	swait.ge [sflag:s17], $0x2000  }
0x90: {  	[sflag:s17] =	ssyncset.done $0x0  }
0x91: {  	[sflag:s17] =	ssyncadd.s32 $0xFFFFE000  }
0x92: {  	[hbm4b:s11+s3] =	stream.linear.scatter [tilespmem:s18], [sflag:$0x2], $0x2000, $0x38;
	[tilespmem:$0x1E040] =	vst v63  }
0x93: {  	_ =	swait.ge [sflag:s17], $0x2000  }
0x94: {  	[sflag:s17] =	ssyncset.done $0x0  }
0x95: {  	[sflag:s17] =	ssyncadd.s32 $0xFFFFE000  }
0x96: {  	[tilespmem:s18], [sflag:$0x2] =	stream.linear.gather [spmem:s7], $0x2000, $0x38;
	[tilespmem:$0x1E040] =	vst v63  }
0x97: {  	_ =	swait.ge [sflag:s17], $0x2000  }
0x98: {  	[sflag:s17] =	ssyncset.done $0x0  }
0x99: {  	[sflag:s17] =	ssyncadd.s32 $0xFFFFE000  }
0x9a: {  	[hbm4b:s12+s3] =	stream.linear.scatter [tilespmem:s18], [sflag:$0x2], $0x2000, $0x38;
	[tilespmem:$0x1E040] =	vst v63  }
0x9b: {  	_ =	swait.ge [sflag:s17], $0x2000  }
0x9c: {  	[sflag:s17] =	ssyncset.done $0x0  }
0x9d: {  	[sflag:s17] =	ssyncadd.s32 $0xFFFFE000  }
0x9e: {  	[tilespmem:s18], [sflag:$0x2] =	stream.linear.gather [spmem:s8], $0x2000, $0x38;
	[tilespmem:$0x1E040] =	vst v63  }
0x9f: {  	_ =	swait.ge [sflag:s17], $0x2000  }
0xa0: {  	[sflag:s17] =	ssyncset.done $0x0  }
0xa1: {  	[sflag:s17] =	ssyncadd.s32 $0xFFFFE000  }
0xa2: {  	[hbm4b:s13+s3] =	stream.linear.scatter [tilespmem:s18], [sflag:$0x2], $0x2000, $0x38;
	[tilespmem:$0x1E040] =	vst v63  }
0xa3: {  	_ =	swait.ge [sflag:s17], $0x2000  }
0xa4: {  	[sflag:s17] =	ssyncset.done $0x0  }
0xa5: {  	[sflag:s17] =	ssyncadd.s32 $0xFFFFE000  }
0xa6: {  	[tilespmem:s18], [sflag:$0x2] =	stream.linear.gather [spmem:s9], $0x2000, $0x38;
	[tilespmem:$0x1E040] =	vst v63  }
0xa7: {  	_ =	swait.ge [sflag:s17], $0x2000  }
0xa8: {  	[sflag:s17] =	ssyncset.done $0x0  }
0xa9: {  	[sflag:s17] =	ssyncadd.s32 $0xFFFFE000  }
0xaa: {  	[hbm4b:s14+s3] =	stream.linear.scatter [tilespmem:s18], [sflag:$0x2], $0x2000, $0x38;
	[tilespmem:$0x1E040] =	vst v63  }
0xab: {  	_ =	swait.ge [sflag:s17], $0x2000  }
0xac: {  	[sflag:s17] =	ssyncset.done $0x0  }
0xad: {  	[sflag:s17] =	ssyncadd.s32 $0xFFFFE000  }
0xae: {  	[tilespmem:s18], [sflag:$0x2] =	stream.linear.gather [spmem:s10], $0x2000, $0x38;
	[tilespmem:$0x1E040] =	vst v63  }
0xaf: {  	s26 =	sadd.s32 $0x1, s26;
	_ =	swait.ge [sflag:s17], $0x2000  }
0xb0: {  	p0 =	sne.s32 s26, s16;
	[sflag:s17] =	ssyncset.done $0x0  }
.Ltmp3:
0xb1: {  	[sflag:s17] =	ssyncadd.s32 $0xFFFFE000;
	(pc) =	sbr.rel @p0 .LBB2_1-.Ltmp3, $4  }
0xb2: {  	[hbm4b:s15+s3] =	stream.linear.scatter [tilespmem:s18], [sflag:$0x2], $0x2000, $0x38;
	[tilespmem:$0x1E040] =	vst v63  }
0xb3: {  	_ =	swait.ge [sflag:s17], $0x2000  }
0xb4: {  	[sflag:s17] =	ssyncset.done $0x0  }
0xb5: {  	[sflag:s17] =	ssyncadd.s32 $0xFFFFE000  }
0xb6: {  	_ =	sfence.sel $0x180000  }
0xb7: {  	[bflag:$0x0] =	sbarrier.arrive $0xFFFF  }
0xb8: {  	_ =	strace $0x9000004D  }
0xb9: {  	[bflag:$0x2] =	sbarrier.arrive $0xFFFF  }
0xba: {  	p0 =	sne.s32 s2, $0x0;
	s0 =	rddreg [dreg:$0x3]  }
0xbb: {  	s0 =	sadd.s32 @!p0 $0x100000, s0  }
0xbc: {  	[sflag:s0] =	ssyncadd.tile.s32 @!p0 $0x1;
	_ =	shalt  }
.Lfunc_end2:
_tile_overlayer_lowered:
.L_overlay_start_2:
0xbd: {  	(tag) =	ssettag $0x2  }
0xbe: {  	s0 =	rddreg [dreg:$0x0];
	s2 =	stileid.u32  }
0xbf: {  	s1 =	rddreg [dreg:$0x1];
	p0 =	sne.s32 s2, $0x0  }
0xc0: {  	s3 =	rddreg [dreg:$0x2];
	[bflag:$0x3] =	sbarrier.arrive $0xFFFF;
	s2 =	simm.s32 @!p0 $0x1C02  }
0xc1: {  	[timem:s3], [sflag:s2] =	dma.local @!p0 [hbm:s0], s1  }
0xc2: {  	s0 =	simm.s32 @!p0 $0x2  }
0xc3: {  	_ =	swait.ge @!p0 [sflag:s0], s1  }
0xc4: {  	s1 =	ssub.s32 @!p0 $0x0, s1;
	[sflag:s0] =	ssyncset.done @!p0 $0x0  }
0xc5: {  	[sflag:s0] =	ssyncadd.s32 @!p0 s1  }
0xc6: {  	[bflag:$0x3] =	sbarrier.arrive $0xFFFF  }
0xc7: {  	_ =	shalt  }

// kernel: kernel.8.cloned.1.call-start
scs
__scs_entry_jumppad:
0x0: {  	(pc) =	sbr.rel $0x88, $3  }
0x1: {  	(tag) =	ssettag $0x0;
	lr =	simm.s32 $0x1  }
0x2: {  	[smem:$0x3F9B] =	sst lr;
	_ =	strace $0xD0000000  }
0x3: {  	_ = 	snop  }
0x4: {  	_ = 	snop  }
0x5: {  	_ = 	snop  }
0x6: {  	_ = 	snop  }
0x7: {  	_ = 	snop  }
__scs_overlays_trampoline_lowered:
0x8: {  	[smem:$0x3FAA] =	sst s0  }
0x9: {  	[smem:$0x3FAB] =	sst s1  }
0xa: {  	[smem:$0x3FAC] =	sst s2  }
0xb: {  	[smem:$0x3FAD] =	sst s3  }
0xc: {  	[smem:$0x3FAE] =	sst s4  }
0xd: {  	[smem:$0x3FAF] =	sst s5  }
0xe: {  	[smem:$0x3FB0] =	sst s6  }
0xf: {  	[smem:$0x3FB1] =	sst s7  }
0x10: {  	[smem:$0x3FB2] =	sst s8  }
0x11: {  	[smem:$0x3FB3] =	sst s9;
	s0 =	simm.s32 @!p0 $0x0  }
0x12: {  	s1 =	sld [smem:$0x3F99];
	s0 =	simm.s32 @p0 $0x1  }
0x13: {  	[smem:$0x3FB4] =	sst s0;
	s0 =	simm.s32 @!p1 $0x0  }
0x14: {  	s2 =	sld [smem:$0x3F98];
	s0 =	simm.s32 @p1 $0x1  }
0x15: {  	[smem:$0x3FB5] =	sst s0;
	s0 =	simm.s32 @!p2 $0x0  }
0x16: {  	s3 =	sld [smem:$0x3FDB];
	s0 =	simm.s32 @p2 $0x1  }
0x17: {  	s4 =	simm.s32 $0x1BF5;
	[smem:$0x3FB7] =	sst s0  }
0x18: {  	s0 =	sld [smem:$0x3F9A];
	_ =	swait.ge [sflag:s4], $0x0  }
0x19: {  	s7 =	sld [smem:$0x3F9B]  }
0x1a: {  	s8 =	sadd.s32 $0xFFFFE003, lr  }
0x1b: {  	s9 =	sadd.s32 $0xFFFFFEF7, lr;
	s5 =	simm.s32 $0xFFFFFFFF;
	p2 =	slt.u32 s8, $0xFFFFF086  }
0x1c: {  	p1 =	slt.u32 s9, $0xF7A;
	s5 =	simm.s32 @!p2 $0x0  }
0x1d: {  	s5 =	simm.s32 @p1 $0x1;
	p0 =	seq.s32 s7, s2  }
0x1e: {  	s7 =	smul.u32 @!p0 $0xF7A, s2;
	p2 =	seq.s32 @!p0 s5, $0x0  }
0x1f: {  	s9 =	smul.u32 $0xF7A, s1;
	s8 =	simm.s32 @!p0 $0x1BF5;
	p2 =	por !p2, p0  }
0x20: {  	[sflag:s8] =	ssyncset.s32 @!p0 $0xFFFFF086;
	s6 =	sadd.s32 @!p0 s3, s7;
	s7 =	simm.s32 @!p0 $0x108  }
0x21: {  	s3 =	sadd.s32 s3, s9;
	s6 =	sadd.s32 @!p0 $0x88, s6;
	s7 =	simm.s32 @p2 $0x1082  }
0x22: {  	[simem:s7], [sflag:s8] =	dma.local @!p0 [hbm:s6], $0xF7A  }
0x23: {  	s9 =	sor.u32 $0xD0000000, s2;
	s6 =	simm.s32 $0x108;
	_ =	swait.ge @!p0 [sflag:s8], $0x0  }
0x24: {  	s3 =	sadd.s32 $0x88, s3;
	s6 =	simm.s32 @!p1 $0x1082;
	[sflag:s4] =	ssyncset.s32 $0xFFFFF086  }
0x25: {  	[simem:s6], [sflag:s4] =	dma.local [hbm:s3], $0xF7A  }
0x26: {  	[smem:$0x3F9B] =	sst s1;
	(tag) =	ssettag s2;
	_ =	strace s9  }
0x27: {  	s1 =	sld [smem:$0x3FAB]  }
0x28: {  	s2 =	sld [smem:$0x3FAC]  }
0x29: {  	s4 =	sld [smem:$0x3FAE]  }
0x2a: {  	p0 =	seq.s32 s5, $0x0;
	s5 =	sld [smem:$0x3FAF]  }
0x2b: {  	s6 =	sld [smem:$0x3FB0]  }
0x2c: {  	s7 =	sld [smem:$0x3FB1]  }
0x2d: {  	s3 =	simm.s32 $0x108;
	s8 =	sld [smem:$0x3FB2]  }
0x2e: {  	s3 =	simm.s32 @!p0 $0x1082;
	s9 =	sld [smem:$0x3FB3]  }
0x2f: {  	lr =	sadd.s32 s0, s3;
	s0 =	sld [smem:$0x3FAA]  }
0x30: {  	s3 =	sld [smem:$0x3FAD]  }
0x31: {  	[smem:$0x3FB6] =	sst s10  }
0x32: {  	s10 =	sld [smem:$0x3FB4];
	_ =	sdelay $0x3  }
0x33: {  	p0 =	seq.s32 s10, $0x1;
	s10 =	sld [smem:$0x3FB6];
	_ =	sdelay $0x3  }
0x34: {  	[smem:$0x3FB6] =	sst s10  }
0x35: {  	s10 =	sld [smem:$0x3FB5];
	_ =	sdelay $0x3  }
0x36: {  	p1 =	seq.s32 s10, $0x1;
	s10 =	sld [smem:$0x3FB6];
	_ =	sdelay $0x3  }
0x37: {  	[smem:$0x3FB6] =	sst s10  }
0x38: {  	s10 =	sld [smem:$0x3FB7]  }
0x39: {  	_ = 	snop;
	(pc) =	sbr.ind lr, $3  }
0x3a: {  	_ = 	snop  }
0x3b: {  	_ = 	snop  }
0x3c: {  	p2 =	seq.s32 s10, $0x1;
	s10 =	sld [smem:$0x3FB6]  }
0x3d: {  	_ =	shalt  }
0x3e: {  	_ =	shalt  }
0x3f: {  	_ =	shalt  }
0x40: {  	_ =	shalt  }
0x41: {  	_ =	shalt  }
0x42: {  	_ =	shalt  }
0x43: {  	_ =	shalt  }
0x44: {  	_ =	shalt  }
0x45: {  	_ =	shalt  }
0x46: {  	_ =	shalt  }
0x47: {  	_ =	shalt  }
0x48: {  	_ =	shalt  }
0x49: {  	_ =	shalt  }
0x4a: {  	_ =	shalt  }
0x4b: {  	_ =	shalt  }
0x4c: {  	_ =	shalt  }
0x4d: {  	_ =	shalt  }
0x4e: {  	_ =	shalt  }
0x4f: {  	_ =	shalt  }
0x50: {  	_ =	shalt  }
0x51: {  	_ =	shalt  }
0x52: {  	_ =	shalt  }
0x53: {  	_ =	shalt  }
0x54: {  	_ =	shalt  }
0x55: {  	_ =	shalt  }
0x56: {  	_ =	shalt  }
0x57: {  	_ =	shalt  }
0x58: {  	_ =	shalt  }
0x59: {  	_ =	shalt  }
0x5a: {  	_ =	shalt  }
0x5b: {  	_ =	shalt  }
0x5c: {  	_ =	shalt  }
0x5d: {  	_ =	shalt  }
0x5e: {  	_ =	shalt  }
0x5f: {  	_ =	shalt  }
0x60: {  	_ =	shalt  }
0x61: {  	_ =	shalt  }
0x62: {  	_ =	shalt  }
0x63: {  	_ =	shalt  }
0x64: {  	_ =	shalt  }
0x65: {  	_ =	shalt  }
0x66: {  	_ =	shalt  }
0x67: {  	_ =	shalt  }
0x68: {  	_ =	shalt  }
0x69: {  	_ =	shalt  }
0x6a: {  	_ =	shalt  }
0x6b: {  	_ =	shalt  }
0x6c: {  	_ =	shalt  }
0x6d: {  	_ =	shalt  }
0x6e: {  	_ =	shalt  }
0x6f: {  	_ =	shalt  }
0x70: {  	_ =	shalt  }
0x71: {  	_ =	shalt  }
0x72: {  	_ =	shalt  }
0x73: {  	_ =	shalt  }
0x74: {  	_ =	shalt  }
0x75: {  	_ =	shalt  }
0x76: {  	_ =	shalt  }
0x77: {  	_ =	shalt  }
0x78: {  	_ =	shalt  }
0x79: {  	_ =	shalt  }
0x7a: {  	_ =	shalt  }
0x7b: {  	_ =	shalt  }
0x7c: {  	_ =	shalt  }
0x7d: {  	_ =	shalt  }
0x7e: {  	_ =	shalt  }
0x7f: {  	_ =	shalt  }
0x80: {  	_ =	shalt  }
0x81: {  	_ =	shalt  }
0x82: {  	_ =	shalt  }
0x83: {  	_ =	shalt  }
0x84: {  	_ =	shalt  }
0x85: {  	_ =	shalt  }
0x86: {  	_ =	shalt  }
0x87: {  	_ =	shalt  }
.Lfunc_end0:
.L_simem_size_0:
called_computation_lowered:
.L_overlay_start_0:
0x88: {  	s2 =	sld [smem:$0x3FD9]  }
0x89: {  	s3 =	sld [smem:$0x3FFE];
	_ =	sdelay $0x1  }
0x8a: {  	s1 =	srdreg.scid  }
0x8b: {  	s0 =	sand.u32 $0x1, s1  }
0x8c: {  	s17 =	sshll.u32 s0, $0xA;
	s2 =	sadd.s32 s3, s2  }
0x8d: {  	s2 =	sadd.s32 s2, s17  }
0x8e: {  	[smem:$0x3FC2] =	sst s2  }
0x8f: {  	_ = 	snop  }
0x90: {  	s2 =	sld [smem:$0x3FD0];
	(tm) =	ssettm $0x1  }
0x91: {  	s18 =	sld [smem:$0x3FFB];
	_ =	sdelay $0x3  }
0x92: {  	_ =	strace s18  }
0x93: {  	s3 =	sld [smem:$0x3FFC];
	_ =	sdelay $0x3  }
0x94: {  	_ =	strace s3  }
0x95: {  	s3 =	sld [smem:$0x3FFD];
	_ =	sdelay $0x3  }
0x96: {  	_ =	strace s3  }
0x97: {  	_ =	strace $0x8FFFFFFF  }
0x98: {  	s19 =	sld [smem:$0x3FDB];
	_ =	sdelay $0x1  }
0x99: {  	s4 =	simm.s32 $_scs_section_size  }
0x9a: {  	s5 =	simm.s32 $_size__tile_overlayer_lowered;
	s6 =	simm.s32 $_tile_overlayer_lowered  }
0x9b: {  	s22 =	simm.s32 $0x1BFF;
	s21 =	sshll.u32 s6, $0x1;
	s3 =	sadd.s32 s4, s19  }
0x9c: {  	s7 =	simm.s32 $0x0;
	s20 =	sshll.u32 s5, $0x1;
	s5 =	sadd.s32 s21, s3  }
0x9d: {  	[timem:s7], [sflag:s22] =	dma.local [hbm:s5], s20  }
0x9e: {  	_ =	swait.ge [sflag:s22], s20  }
0x9f: {  	s4 =	ssub.s32 $0x0, s20;
	[sflag:s22] =	ssyncset.done $0x0  }
0xa0: {  	[sflag:s22] =	ssyncadd.s32 s4;
	_ =	sdelay $0x1  }
0xa1: {  	s23 =	simm.s32 $0x1B8B  }
0xa2: {  	_ =	swait.ge [sflag:s23], $0x1  }
0xa3: {  	[sflag:s23] =	ssyncset.done $0x0  }
0xa4: {  	s25 =	simm.s32 $0x1B8E;
	s24 =	sld [smem:$0x3FFE];
	[sflag:s23] =	ssyncadd.s32 $0xFFFFFFFF  }
0xa5: {  	s26 =	simm.s32 $execute0_lowered;
	[smem:$0x3FD2] =	sst s25  }
0xa6: {  	s5 =	sshll.u32 s26, $0x1;
	_ =	strace $0x80000046;
	[dreg:$0x1] =	wrdreg $0xFFFFFFFF  }
0xa7: {  	s28 =	simm.s32 $_size_execute0_lowered;
	s3 =	sadd.s32 s3, s5;
	[dreg:$0x0] =	wrdreg $0x0  }
0xa8: {  	s5 =	sshll.u32 s28, $0x1;
	[dreg:$0x2] =	wrdreg s3  }
0xa9: {  	[dreg:$0x3] =	wrdreg s5  }
0xaa: {  	[dreg:$0x4] =	wrdreg $0xC0  }
0xab: {  	_ =	task [dreg:s7], $0x5FFFF  }
0xac: {  	[dreg:$0x1] =	wrdreg $0xFFFFFFFF  }
0xad: {  	[dreg:$0x0] =	wrdreg $0x60  }
0xae: {  	[dreg:$0x2] =	wrdreg s2  }
0xaf: {  	[dreg:$0x3] =	wrdreg s24  }
0xb0: {  	[dreg:$0x4] =	wrdreg $0x53000  }
0xb1: {  	[dreg:$0x5] =	wrdreg $0x9  }
0xb2: {  	_ =	task.clear_ibuf [dreg:s7], $0x6FFFF;
	_ =	strace $0x90000046  }
0xb3: {  	s29 =	simm.s32 $0x9;
	_ =	strace $0x80000048  }
0xb4: {  	_ =	swait.ge [sflag:s29], $0x1  }
0xb5: {  	[sflag:s29] =	ssyncadd.s32 $0xFFFFFFFF  }
0xb6: {  	_ =	strace $0x90000048  }
0xb7: {  	_ =	sfence  }
0xb8: {  	s30 =	sld [smem:$0x0];
	_ =	sdelay $0x2  }
0xb9: {  	s31 =	sshll.u32 s1, $0xD;
	s1 =	sshrl.u32 s1, $0x2  }
0xba: {  	s3 =	sand.u32 $0x4000, s31;
	s1 =	sadd.s32 s1, s30  }
0xbb: {  	s0 =	sor.u32 s3, s0;
	s1 =	sshll.u32 s1, $0x11  }
0xbc: {  	s0 =	sor.u32 s1, s0  }
0xbd: {  	s0 =	sadd.s32 $0x8F2B, s0  }
0xbe: {  	[sflag:s0] =	ssyncadd.remote.s32 $0x1  }
0xbf: {  	_ =	sfence.sel $0xFFFF  }
0xc0: {  	[dreg:$0x0] =	wrdreg $0xFFFFFFFF;
	(pc) =	sbr.abs _section_cstart, $3  }
0xc1: {  	[dreg:$0x1] =	wrdreg $0xFFFFFFFF  }
0xc2: {  	_ =	task.clear_ibuf [dreg:s7], $0x2FFFF;
	_ =	strace $0x9FFFFFFF  }
0xc3: {  	(tm) =	ssettm $0x7FFFFFFF  }
tec
execute0_lowered:
.L_overlay_start_1:
0x0: {  	(tag) =	ssettag $0x1  }
0x1: {  	s4 =	rddreg [dreg:$0x0]  }
0x2: {  	s5 =	rddreg [dreg:$0x1];
	s1 =	srdreg.scid  }
0x3: {  	s0 =	stileid.u32;
	s2 =	rddreg [dreg:$0x2];
	s3 =	simm.s32 $0x0  }
0x4: {  	s11 =	simm.s32 $0x5000;
	s12 =	simm.s32 $0x0;
	s6 =	sand.u32 $0x1, s1  }
0x5: {  	s7 =	smul.u32 $0x280, s0;
	s1 =	rddreg [dreg:$0x3];
	s9 =	sshll.u32 s0, $0x1  }
0x6: {  	s8 =	smul.u32 $0x2800, s6;
	s10 =	ssub.s32 $0x2, s6;
	s6 =	sor.u32 s6, s9  }
0x7: {  	[smem:$0x7FF] =	sst s3;
	s31 =	sshrl.u32 s10, $0x1;
	s6 =	smul.u32 $0x500, s6  }
0x8: {  	_ =	strace $0x80000047;
	s8 =	sadd.s32 s7, s8;
	s9 =	ssub.s32 s10, s31  }
0x9: {  	s10 =	simm.s32 $0x80;
	s8 =	sshrl.u32 s8, $0x3;
	s4 =	sadd.s32 s4, s6  }
0xa: {  	s8 =	sadd.s32 s8, s5;
	s5 =	sadd.s32 s7, s2;
	s7 =	smax.u32 s9, $0x1  }
0xb: {  	v0 =	vimm.f32 $1.000000000e+00;
	v1 =	vimm.f32 $0.0e+00;
	s9 =	simm.s32 $0x5080;
	s6 =	sadd.s32 $0x2600, s8;
	s8 =	simm.s32 $0x1  }
.LBB2_1:
0xc: {  	[tilespmem:s3], [sflag:$0x1] =	stream.linear.gather [hbm4b:s4+s3], $0x2800, $0x38;
	[tilespmem:$0x5580] =	vst v63  }
0xd: {  	_ =	swait.ge [sflag:s8], $0x2800  }
0xe: {  	[sflag:s8] =	ssyncset.done $0x0  }
0xf: {  	s13 =	simm.s32 $0x0;
	[sflag:s8] =	ssyncadd.s32 $0xFFFFD800  }
0x10: {  	s14 =	simm.s32 $0x40;
	v2 =	vld [tilespmem:s13+$0x0]  }
.LBB2_2:
0x11: {  	p0 =	sne.s32 s14, $0x9FC0  }
.Ltmp0:
0x12: {  	_ = 	snop;
	(pc) =	sbr.rel @p0 .LBB2_2-.Ltmp0, $3  }
0x13: {  	_ =	sdelay $0x1  }
0x14: {  	s15 =	sshra.s32 s14, $0x2;
	s14 =	sadd.s32 $0x40, s14;
	v3 =	vand.u32 $0x3FFF, v2  }
0x15: {  	v2 =	vld [tilespmem:s15+$0x0];
	[tilespmem:s13+$0x2800] =	vst v3;
	s13 =	smov.u32 s15  }
0x16: {  	_ =	sdelay $0x3  }
0x17: {  	v2 =	vand.u32 $0x3FFF, v2  }
0x18: {  	[tilespmem:s13+$0x2800] =	vst v2  }
0x19: {  	[tilespmem:$0x5000] =	vst v0  }
0x1a: {  	[tilespmem:$0x5010] =	vst v0  }
0x1b: {  	[tilespmem:$0x5020] =	vst v0  }
0x1c: {  	[tilespmem:$0x5030] =	vst v0  }
0x1d: {  	[tilespmem:$0x5040] =	vst v0  }
0x1e: {  	[tilespmem:$0x5050] =	vst v0  }
0x1f: {  	[tilespmem:$0x5060] =	vst v0  }
0x20: {  	[tilespmem:$0x5070] =	vst v0  }
0x21: {  	[tilespmem:$0x5080] =	vst v1  }
0x22: {  	[tilespmem:$0x5090] =	vst v1  }
0x23: {  	[tilespmem:$0x50A0] =	vst v1  }
0x24: {  	[tilespmem:$0x50B0] =	vst v1  }
0x25: {  	[tilespmem:$0x50C0] =	vst v1  }
0x26: {  	[tilespmem:$0x50D0] =	vst v1  }
0x27: {  	[tilespmem:$0x50E0] =	vst v1  }
0x28: {  	[tilespmem:$0x50F0] =	vst v1  }
0x29: {  	[tilespmem:$0x5100] =	vst v1  }
0x2a: {  	[tilespmem:$0x5110] =	vst v1  }
0x2b: {  	[tilespmem:$0x5120] =	vst v1  }
0x2c: {  	[tilespmem:$0x5130] =	vst v1  }
0x2d: {  	[tilespmem:$0x5140] =	vst v1  }
0x2e: {  	[tilespmem:$0x5150] =	vst v1  }
0x2f: {  	[tilespmem:$0x5160] =	vst v1  }
0x30: {  	[tilespmem:$0x5170] =	vst v1  }
0x31: {  	[tilespmem:$0x5180] =	vst v1  }
0x32: {  	[tilespmem:$0x5190] =	vst v1  }
0x33: {  	[tilespmem:$0x51A0] =	vst v1  }
0x34: {  	[tilespmem:$0x51B0] =	vst v1  }
0x35: {  	[tilespmem:$0x51C0] =	vst v1  }
0x36: {  	[tilespmem:$0x51D0] =	vst v1  }
0x37: {  	[tilespmem:$0x51E0] =	vst v1  }
0x38: {  	[tilespmem:$0x51F0] =	vst v1  }
0x39: {  	[tilespmem:$0x5200] =	vst v1  }
0x3a: {  	[tilespmem:$0x5210] =	vst v1  }
0x3b: {  	[tilespmem:$0x5220] =	vst v1  }
0x3c: {  	[tilespmem:$0x5230] =	vst v1  }
0x3d: {  	[tilespmem:$0x5240] =	vst v1  }
0x3e: {  	[tilespmem:$0x5250] =	vst v1  }
0x3f: {  	[tilespmem:$0x5260] =	vst v1  }
0x40: {  	[tilespmem:$0x5270] =	vst v1  }
0x41: {  	[tilespmem:$0x5280] =	vst v1  }
0x42: {  	[tilespmem:$0x5290] =	vst v1  }
0x43: {  	[tilespmem:$0x52A0] =	vst v1  }
0x44: {  	[tilespmem:$0x52B0] =	vst v1  }
0x45: {  	[tilespmem:$0x52C0] =	vst v1  }
0x46: {  	[tilespmem:$0x52D0] =	vst v1  }
0x47: {  	[tilespmem:$0x52E0] =	vst v1  }
0x48: {  	[tilespmem:$0x52F0] =	vst v1  }
0x49: {  	[spmem:s5] =	stream.linear.scatter [tilespmem:s9], [sflag:$0x1], $0x280, $0x38;
	[tilespmem:$0x5580] =	vst v63  }
0x4a: {  	_ =	swait.ge [sflag:s8], $0x280  }
0x4b: {  	[sflag:s8] =	ssyncset.done $0x0  }
0x4c: {  	[sflag:s8] =	ssyncadd.s32 $0xFFFFFD80  }
0x4d: {  	s31 =	simm.s32 $0x2800;
	[bflag:$0x0] =	sbarrier.arrive $0xFFFF  }
0x4e: {  	[spmem:s2] =	stream.indirect.scatter.add.f32 [tilespmem:s11], [sflag:$0x1], $0x1, s31, s10, $0xb8;
	[tilespmem:$0x5580] =	vst v63  }
0x4f: {  	s13 =	simm.s32 $0x200;
	_ =	swait.ge [sflag:s8], $0x80  }
.LBB2_4:
0x50: {  	s14 =	sshra.s32 s13, $0x2;
	[sflag:s8] =	ssyncset.done $0x0;
	p0 =	sne.s32 s13, $0x9E00  }
.Ltmp1:
0x51: {  	s14 =	sadd.s32 $0x2800, s14;
	[sflag:s8] =	ssyncadd.s32 $0xFFFFFF80;
	(pc) =	sbr.rel @p0 .LBB2_4-.Ltmp1, $3  }
0x52: {  	[spmem:s2] =	stream.indirect.scatter.add.f32 [tilespmem:s11], [sflag:$0x1], $0x1, s14, s10, $0xb8;
	[tilespmem:$0x5580] =	vst v63  }
0x53: {  	s13 =	sadd.s32 $0x200, s13;
	_ =	sdelay $0x1  }
0x54: {  	_ =	swait.ge [sflag:s8], $0x80  }
0x55: {  	[sflag:s8] =	ssyncset.done $0x0  }
0x56: {  	[sflag:s8] =	ssyncadd.s32 $0xFFFFFF80  }
0x57: {  	[bflag:$0x0] =	sbarrier.arrive $0xFFFF  }
0x58: {  	[tilespmem:s9], [sflag:$0x1] =	stream.linear.gather [spmem:s5], $0x280, $0x38;
	[tilespmem:$0x5580] =	vst v63  }
0x59: {  	s12 =	sadd.s32 $0x1, s12;
	_ =	swait.ge [sflag:s8], $0x280  }
0x5a: {  	p0 =	sne.s32 s12, s7;
	[sflag:s8] =	ssyncset.done $0x0  }
.Ltmp2:
0x5b: {  	[sflag:s8] =	ssyncadd.s32 $0xFFFFFD80;
	(pc) =	sbr.rel @p0 .LBB2_1-.Ltmp2, $4  }
0x5c: {  	[hbm4b:s6+s3] =	stream.linear.scatter [tilespmem:s9], [sflag:$0x1], $0x280, $0x38;
	[tilespmem:$0x5580] =	vst v63  }
0x5d: {  	_ =	swait.ge [sflag:s8], $0x280  }
0x5e: {  	[sflag:s8] =	ssyncset.done $0x0  }
0x5f: {  	[sflag:s8] =	ssyncadd.s32 $0xFFFFFD80  }
0x60: {  	_ =	sfence.sel $0x180000  }
0x61: {  	[bflag:$0x0] =	sbarrier.arrive $0xFFFF  }
0x62: {  	p0 =	sne.s32 s0, $0x0;
	_ =	strace $0x90000047  }
0x63: {  	s0 =	sadd.s32 @!p0 $0x100000, s1;
	[bflag:$0x2] =	sbarrier.arrive $0xFFFF  }
0x64: {  	[sflag:s0] =	ssyncadd.tile.s32 @!p0 $0x1;
	_ =	shalt  }
.Lfunc_end2:
_tile_overlayer_lowered:
.L_overlay_start_2:
0x65: {  	(tag) =	ssettag $0x2  }
0x66: {  	s0 =	rddreg [dreg:$0x0];
	s2 =	stileid.u32  }
0x67: {  	s1 =	rddreg [dreg:$0x1];
	p0 =	sne.s32 s2, $0x0  }
0x68: {  	s3 =	rddreg [dreg:$0x2];
	[bflag:$0x3] =	sbarrier.arrive $0xFFFF;
	s2 =	simm.s32 @!p0 $0x1C01  }
0x69: {  	[timem:s3], [sflag:s2] =	dma.local @!p0 [hbm:s0], s1  }
0x6a: {  	s0 =	simm.s32 @!p0 $0x1  }
0x6b: {  	_ =	swait.ge @!p0 [sflag:s0], s1  }
0x6c: {  	s1 =	ssub.s32 @!p0 $0x0, s1;
	[sflag:s0] =	ssyncset.done @!p0 $0x0  }
0x6d: {  	[sflag:s0] =	ssyncadd.s32 @!p0 s1  }
0x6e: {  	[bflag:$0x3] =	sbarrier.arrive $0xFFFF  }
0x6f: {  	_ =	shalt  }

</sc_bundles>
